<compile_context>
chip_gen: v7x
topology: tpu7x:2x2x1
jax: 0.10.2.dev20260603
libtpu: 0.0.44.dev20260713+nightly
codegen_flags: <defaults>
</compile_context>

<pallas_src>
import functools

import jax
import jax.numpy as jnp
from jax import lax
from jax.experimental import pallas as pl
from jax.experimental.pallas import tpu as pltpu
from jax.experimental.pallas import tpu_sc as plsc

_N = 4096
_RB = 256
_NBLK = _N // _RB
_TOPK = 31
_INTERPRET = False

_NC, _NS, _L = 2, 16, 16
_NW = _NC * _NS
_RPW = _N // _NW
_RCHUNK = 8
_NV = _N // _L
_NBUK = 256



def _k1_body(f_ref, x_ref, wg0_ref, bg0_ref, wg1_ref, bg1_ref, wc0_ref,
             emb_ref, xw_ref):
    h = lax.dot_general(f_ref[...], wg0_ref[...], (((1,), (1,)), ((), ())))
    h = jnp.maximum(h + bg0_ref[...], 0.0)
    h = lax.dot_general(h, wg1_ref[...], (((1,), (1,)), ((), ()))) \
        + bg1_ref[...]
    nrm = jnp.sqrt(jnp.sum(h * h, axis=1, keepdims=True))
    emb_ref[...] = h / jnp.maximum(nrm, 1e-12)
    xw_ref[...] = lax.dot_general(x_ref[...], wc0_ref[...],
                                  (((1,), (0,)), ((), ())))


def _k2a_body(emb_blk_ref, emb_full_ref, raw_ref):
    raw_ref[...] = lax.dot_general(emb_blk_ref[...], emb_full_ref[...],
                                   (((1,), (1,)), ((), ())))


def _k2b_body(emb_blk_ref, emb_full_ref, tcol_ref, rs_ref, cs_ref):
    i = pl.program_id(0)
    raw = lax.dot_general(emb_blk_ref[...], emb_full_ref[...],
                          (((1,), (1,)), ((), ())))
    masked = jnp.where(raw >= tcol_ref[...], jnp.maximum(raw, 0.0), 0.0)
    rs_ref[...] = jnp.sum(masked, axis=1, keepdims=True)
    part = jnp.sum(masked, axis=0, keepdims=True)

    @pl.when(i == 0)
    def _():
        cs_ref[...] = part

    @pl.when(i != 0)
    def _():
        cs_ref[...] = cs_ref[...] + part


def _adjn_block(emb_blk_ref, emb_full_ref, tcol_ref, trow_ref, dcol_ref,
                drow_ref):
    raw = lax.dot_general(emb_blk_ref[...], emb_full_ref[...],
                          (((1,), (1,)), ((), ())))
    rp = jnp.maximum(raw, 0.0)
    msum = (jnp.where(raw >= tcol_ref[...], 0.5, 0.0)
            + jnp.where(raw >= trow_ref[...], 0.5, 0.0))
    return (dcol_ref[...] * (rp * msum)) * drow_ref[...]


def _k3_body(emb_blk_ref, emb_full_ref, tcol_ref, trow_ref, dcol_ref,
             drow_ref, xw_ref, wc1_ref, bc0_ref, h1w_ref):
    adjn = _adjn_block(emb_blk_ref, emb_full_ref, tcol_ref, trow_ref,
                       dcol_ref, drow_ref)
    h1 = lax.dot_general(adjn, xw_ref[...], (((1,), (0,)), ((), ()))) \
        + bc0_ref[...]
    h1 = jnp.maximum(h1, 0.0)
    h1w_ref[...] = lax.dot_general(h1, wc1_ref[...], (((1,), (0,)), ((), ())))


def _k4_body(emb_blk_ref, emb_full_ref, tcol_ref, trow_ref, dcol_ref,
             drow_ref, h1w_ref, bc1_ref, adjn_ref, out_ref):
    adjn = _adjn_block(emb_blk_ref, emb_full_ref, tcol_ref, trow_ref,
                       dcol_ref, drow_ref)
    adjn_ref[...] = adjn
    out_ref[...] = lax.dot_general(adjn, h1w_ref[...],
                                   (((1,), (0,)), ((), ()))) + bc1_ref[...]



def _sc_thresh_body(raw_hbm, t_hbm, rows_v, hist_v, cand_v, tacc_v):
    c = lax.axis_index("c")
    s = lax.axis_index("s")
    wid = s * _NC + c
    base = wid * _RPW
    lane = lax.iota(jnp.int32, _L)
    zero16i = jnp.zeros((_L,), jnp.int32)
    one16i = jnp.ones((_L,), jnp.int32)
    half = jnp.float32(_NBUK / 2.0)

    def bucket_of(v):
        bi = (v * half + half).astype(jnp.int32)
        return jnp.clip(bi, 0, _NBUK - 1)

    def do_chunk(ch_i, _):
        pltpu.sync_copy(raw_hbm.at[pl.ds(base + ch_i * _RCHUNK, _RCHUNK)],
                        rows_v)

        def do_row(ro, _):
            def rst(b8, _):
                for u in range(8):
                    hist_v[pl.ds((b8 * 8 + u) * _L, _L)] = zero16i
                return 0
            lax.fori_loop(0, _NBUK // 8, rst, 0)

            def build(j8, _):
                for u in range(8):
                    v = rows_v[ro, pl.ds((j8 * 8 + u) * _L, _L)]
                    b = bucket_of(v)
                    plsc.addupdate_scatter(hist_v, [b * _L + lane], one16i)
                return 0
            lax.fori_loop(0, _NV // 8, build, 0)

            def coarse(cc, carry):
                found, chq, ngt, acc = carry
                ch = (_NBUK // _L - 1) - cc
                av = zero16i
                for bb in range(_L):
                    av = av + hist_v[pl.ds((ch * _L + bb) * _L, _L)]
                stot = jnp.sum(av)
                newacc = acc + stot
                hit = jnp.logical_and(found == 0, newacc >= _TOPK)
                return (jnp.where(hit, 1, found), jnp.where(hit, ch, chq),
                        jnp.where(hit, acc, ngt), newacc)

            _, ch_hit, ngt_ch, _ = lax.fori_loop(
                0, _NBUK // _L, coarse, (0, 0, 0, 0))

            def fine(bb, carry):
                found, bq, ngt, acc = carry
                b = ch_hit * _L + (_L - 1 - bb)
                h = hist_v[pl.ds(b * _L, _L)]
                newacc = acc + jnp.sum(h)
                hit = jnp.logical_and(found == 0, newacc >= _TOPK)
                return (jnp.where(hit, 1, found), jnp.where(hit, b, bq),
                        jnp.where(hit, acc, ngt), newacc)

            _, bukt, n_gt, _ = lax.fori_loop(0, _L, fine, (0, 0, 0, ngt_ch))

            def compact(j8, cursor):
                for u in range(8):
                    v = rows_v[ro, pl.ds((j8 * 8 + u) * _L, _L)]
                    m = bucket_of(v) == bukt
                    mi = jnp.where(m, 1, 0)
                    pos = plsc.cumsum(mi)
                    tgt = jnp.maximum(cursor + pos - 1, 0)
                    plsc.store_scatter(cand_v, [tgt], v, mask=m)
                    cursor = cursor + jnp.sum(mi)
                return cursor
            cursor = lax.fori_loop(0, _NV // 8, compact, 0)

            kprime = _TOPK - n_gt
            nvreg = (cursor + _L - 1) // _L

            def cw_cond(carry):
                cc, _ = carry
                return cc < kprime

            def cw_body(carry):
                cc, t = carry

                def vmax(j, mv):
                    valid = j * _L + lane < cursor
                    v = cand_v[pl.ds(j * _L, _L)]
                    return jnp.maximum(mv, jnp.where(valid, v, -2.0))
                mv = lax.fori_loop(0, nvreg, vmax,
                                   jnp.full((_L,), -2.0, jnp.float32))
                m = jnp.max(mv)

                def vrm(j, k):
                    idx = j * _L + lane
                    valid = idx < cursor
                    v = cand_v[pl.ds(j * _L, _L)]
                    eq = jnp.logical_and(valid, v == m)
                    plsc.store_scatter(cand_v, [idx],
                                       jnp.full((_L,), -2.0, jnp.float32),
                                       mask=eq)
                    return k + jnp.sum(jnp.where(eq, 1, 0))
                cnt = lax.fori_loop(0, nvreg, vrm, 0)
                t = jnp.where(cc < kprime, m, t)
                return cc + cnt, t

            _, t = lax.while_loop(cw_cond, cw_body, (0, jnp.float32(-2.0)))

            plsc.store_scatter(
                tacc_v, [jnp.full((_L,), ch_i * _RCHUNK + ro, jnp.int32)],
                jnp.full((_L,), t, jnp.float32), mask=lane == 0)
            return 0

        lax.fori_loop(0, _RCHUNK, do_row, 0)
        return 0

    lax.fori_loop(0, _RPW // _RCHUNK, do_chunk, 0)
    pltpu.sync_copy(tacc_v, t_hbm.at[pl.ds(base, _RPW)])


def _sc_thresholds(raw):
    mesh = plsc.VectorSubcoreMesh(core_axis_name="c", subcore_axis_name="s")
    return pl.kernel(
        _sc_thresh_body,
        out_type=jax.ShapeDtypeStruct((_N,), jnp.float32),
        mesh=mesh,
        compiler_params=pltpu.CompilerParams(needs_layout_passes=False),
        scratch_types=[
            pltpu.VMEM((_RCHUNK, _N), jnp.float32),
            pltpu.VMEM((_NBUK * _L,), jnp.int32),
            pltpu.VMEM((_N,), jnp.float32),
            pltpu.VMEM((_RPW,), jnp.float32),
        ],
    )(raw)



def kernel(features, x, W_g0, b_g0, W_g1, b_g1, W_c0, b_c0, W_c1, b_c1):
    f32 = jnp.float32
    n, din = features.shape
    hid = W_c0.shape[1]
    dout = W_c1.shape[1]
    bg0 = b_g0.reshape(1, -1)
    bg1 = b_g1.reshape(1, -1)
    bc0 = b_c0.reshape(1, -1)
    bc1 = b_c1.reshape(1, -1)

    full = lambda s: pl.BlockSpec(s, lambda i: (0, 0))
    rows = lambda c: pl.BlockSpec((_RB, c), lambda i: (i, 0))
    col1 = pl.BlockSpec((_RB, 1), lambda i: (i, 0))

    emb, xw = pl.pallas_call(
        _k1_body,
        grid=(_NBLK,),
        in_specs=[rows(din), rows(din), full((din, din)), full((1, din)),
                  full((din, din)), full((1, din)), full((din, hid))],
        out_specs=[rows(din), rows(hid)],
        out_shape=[jax.ShapeDtypeStruct((n, din), f32),
                   jax.ShapeDtypeStruct((n, hid), f32)],
        interpret=_INTERPRET,
    )(features, x, W_g0, bg0, W_g1, bg1, W_c0)

    raw = pl.pallas_call(
        _k2a_body,
        grid=(_NBLK,),
        in_specs=[rows(din), full((n, din))],
        out_specs=rows(n),
        out_shape=jax.ShapeDtypeStruct((n, n), f32),
        interpret=_INTERPRET,
    )(emb, emb)

    t1d = _sc_thresholds(raw)
    t = t1d.reshape(n, 1)

    rs, cs = pl.pallas_call(
        _k2b_body,
        grid=(_NBLK,),
        in_specs=[rows(din), full((n, din)), col1],
        out_specs=[col1, pl.BlockSpec((1, n), lambda i: (0, 0))],
        out_shape=[jax.ShapeDtypeStruct((n, 1), f32),
                   jax.ShapeDtypeStruct((1, n), f32)],
        interpret=_INTERPRET,
    )(emb, emb, t)

    deg = (rs + cs.reshape(n, 1)) * 0.5
    d = 1.0 / (jnp.sqrt(deg) + 1e-10)
    t_row = t1d.reshape(1, n)
    d_row = d.reshape(1, n)

    h1w = pl.pallas_call(
        _k3_body,
        grid=(_NBLK,),
        in_specs=[rows(din), full((n, din)), col1, full((1, n)), col1,
                  full((1, n)), full((n, hid)), full((hid, dout)),
                  full((1, hid))],
        out_specs=rows(dout),
        out_shape=jax.ShapeDtypeStruct((n, dout), f32),
        interpret=_INTERPRET,
    )(emb, emb, t, t_row, d, d_row, xw, W_c1, bc0)

    adjn, out = pl.pallas_call(
        _k4_body,
        grid=(_NBLK,),
        in_specs=[rows(din), full((n, din)), col1, full((1, n)), col1,
                  full((1, n)), full((n, dout)), full((1, dout))],
        out_specs=[rows(n), rows(dout)],
        out_shape=[jax.ShapeDtypeStruct((n, n), f32),
                   jax.ShapeDtypeStruct((n, dout), f32)],
        interpret=_INTERPRET,
    )(emb, emb, t, t_row, d, d_row, h1w, bc1)

    return (out, adjn)

# --- scband reference (transcript-rebuilt; emitter-appended) ---
"""Pipeline reference for scband-gcn-dae-32255204393056 (READ-ONLY COPY).

The authoritative reference and input builder live on the scoring server;
editing this copy changes nothing except your own understanding.
"""

import jax, jax.numpy as jnp
import numpy as np

N = 4096
IN_DIM = 512
HID_DIM = 512
OUT_DIM = 256
MLP_DIM = 512
K = 30


def setup_inputs(seed: int = 0) -> dict:
    key = jax.random.key(seed)
    ks = jax.random.split(key, 6)
    features = jax.random.normal(ks[0], (N, IN_DIM), dtype=jnp.float32)
    x = jax.random.normal(ks[1], (N, IN_DIM), dtype=jnp.float32)
    # GSL (graph generator) linear layers, nlayers=2.
    # mlp_knn_init() sets every layer weight to eye(in_dim); with
    # in_dim=mlp_dim=512, hid=floor(sqrt(512*512))=512 so shapes are consistent.
    W_g0 = jnp.eye(IN_DIM, dtype=jnp.float32)
    b_g0 = jnp.zeros((HID_DIM,), dtype=jnp.float32)
    W_g1 = jnp.eye(IN_DIM, dtype=jnp.float32)
    b_g1 = jnp.zeros((MLP_DIM,), dtype=jnp.float32)
    # Dense GCNConv layers: h' = adj @ (h @ W) + b
    W_c0 = jax.random.normal(ks[2], (IN_DIM, HID_DIM), dtype=jnp.float32) * (1.0 / np.sqrt(IN_DIM))
    b_c0 = jnp.zeros((HID_DIM,), dtype=jnp.float32)
    W_c1 = jax.random.normal(ks[3], (HID_DIM, OUT_DIM), dtype=jnp.float32) * (1.0 / np.sqrt(HID_DIM))
    b_c1 = jnp.zeros((OUT_DIM,), dtype=jnp.float32)
    return {
        "features": features, "x": x,
        "W_g0": W_g0, "b_g0": b_g0, "W_g1": W_g1, "b_g1": b_g1,
        "W_c0": W_c0, "b_c0": b_c0, "W_c1": W_c1, "b_c1": b_c1,
    }


def _top_k(raw_graph, k):
    # SLAPS top_k: keep per-row top-k entries, zero the rest (mask is non-differentiable).
    vals, idx = jax.lax.top_k(raw_graph, k)
    rows = jnp.arange(raw_graph.shape[0])[:, None]
    mask = jnp.zeros_like(raw_graph).at[rows, idx].set(1.0)
    mask = jax.lax.stop_gradient(mask)
    return raw_graph * mask


def reference(features, x, W_g0, b_g0, W_g1, b_g1, W_c0, b_c0, W_c1, b_c1):
    # ---- GSL.forward (dense branch, sparse=0) ----
    h = features @ W_g0.T + b_g0
    h = jax.nn.relu(h)
    h = h @ W_g1.T + b_g1
    # F.normalize(h, dim=1, p=2)
    norm = jnp.linalg.norm(h, axis=1, keepdims=True)
    embeddings = h / jnp.maximum(norm, 1e-12)
    adj = embeddings @ embeddings.T
    adj = _top_k(adj, K + 1)
    adj = jax.nn.relu(adj)
    # ---- GCN_DAE.get_adj: symmetrize + sym-normalize ----
    adj = (adj + adj.T) / 2.0
    deg = jnp.sum(adj, axis=1)
    inv_sqrt_degree = 1.0 / (jnp.sqrt(deg) + 1e-10)
    adj_n = inv_sqrt_degree[:, None] * adj * inv_sqrt_degree[None, :]
    # dropout_adj / dropout_cla are identity in eval mode
    # ---- GCN layers: conv(x, adj) = adj @ (x @ W) + b ----
    h1 = adj_n @ (x @ W_c0) + b_c0
    h1 = jax.nn.relu(h1)
    out = adj_n @ (h1 @ W_c1) + b_c1
    return (out, adj_n)

if __name__ == "__main__":
    import jax
    _d = setup_inputs()
    print(jax.jit(kernel)(*tuple(_d.values())))

</pallas_src>

<mosaic_0001>
#map = affine_map<(d0, d1) -> (0, 0)>
#map1 = affine_map<(d0, d1) -> (0)>
module attributes {stable_mosaic.version = 14 : i64} {
  func.func @_sc_thresh_body(%arg0: i32, %arg1: i32, %arg2: memref<4096x4096xf32, #tpu.memory_space<hbm>>, %arg3: memref<4096xf32, #tpu.memory_space<hbm>>, %arg4: memref<8x4096xf32, #tpu.memory_space<vmem>>, %arg5: memref<4096xi32, #tpu.memory_space<vmem>>, %arg6: memref<4096xf32, #tpu.memory_space<vmem>>, %arg7: memref<128xf32, #tpu.memory_space<vmem>>) attributes {dimension_semantics = [#tpu.dimension_semantics<core_parallel>, #tpu.dimension_semantics<subcore_parallel>], iteration_bounds = array<i64: 2, 16>, scalar_prefetch = 0 : i64, scratch_operands = 4 : i64, tpu.core_type = #tpu.core_type<sc_vector_subcore>, window_params = [{transform_indices = #map}, {transform_indices = #map1}]} {
    %mul3A = arith.constant 2 : i32
    %mul3A_0 = arith.muli %arg1, %mul3A : i32
    %add3A = arith.addi %mul3A_0, %arg0 : i32
    %mul3A_1 = arith.constant 128 : i32
    %mul3A_2 = arith.muli %add3A, %mul3A_1 : i32
    %iota3A = tpu.iota {dimensions = array<i32: 0>} : vector<16xi32>
    %broadcast_in_dim3A = arith.constant 0 : i32
    %broadcast_in_dim3A_3 = vector.broadcast %broadcast_in_dim3A : i32 to vector<16xi32>
    %broadcast_in_dim3A_4 = arith.constant 1 : i32
    %broadcast_in_dim3A_5 = vector.broadcast %broadcast_in_dim3A_4 : i32 to vector<16xi32>
    %scan3A = arith.constant 1.280000e+02 : f32
    %scan3A_6 = arith.constant 0 : i32
    %scan3A_7 = arith.constant 0 : i32
    %scan3A_8 = arith.constant 16 : i32
    %scan3A_9 = arith.addi %scan3A_7, %scan3A_8 : i32
    %scan3A_10 = arith.constant 1 : i32
    %scan3A_11 = scf.for %scan3A_13 = %scan3A_7 to %scan3A_9 step %scan3A_10 iter_args(%scan3A_14 = %scan3A_6) -> (i32)  : i32 {
      %mul3A_15 = arith.constant 8 : i32
      %mul3A_16 = arith.muli %scan3A_13, %mul3A_15 : i32
      %add3A_17 = arith.addi %mul3A_2, %mul3A_16 : i32
      "tpu.region"() ({
        %run_scoped3A = tpu.sem_alloc : memref<!tpu.dma_semaphore, #tpu.memory_space<semaphore_mem>>
        %dma_start3A = arith.constant 0 : i32
        %dma_start3A_26 = tpu.memref_slice %arg2[%add3A_17, %dma_start3A] : memref<4096x4096xf32, #tpu.memory_space<hbm>> -> memref<8x4096xf32, #tpu.memory_space<hbm>>
        %dma_start3A_27 = arith.constant 0 : i32
        %dma_start3A_28 = tpu.memref_slice %arg2[%add3A_17, %dma_start3A_27] : memref<4096x4096xf32, #tpu.memory_space<hbm>> -> memref<8x4096xf32, #tpu.memory_space<hbm>>
        tpu.enqueue_dma source(%dma_start3A_28 : memref<8x4096xf32, #tpu.memory_space<hbm>>) target(%arg4 : memref<8x4096xf32, #tpu.memory_space<vmem>>) target_semaphore(%run_scoped3A : memref<!tpu.dma_semaphore, #tpu.memory_space<semaphore_mem>>)
        %dma_wait3A = arith.constant 0 : i32
        %dma_wait3A_29 = tpu.memref_slice %arg2[%add3A_17, %dma_wait3A] : memref<4096x4096xf32, #tpu.memory_space<hbm>> -> memref<8x4096xf32, #tpu.memory_space<hbm>>
        %dma_wait3A_30 = arith.constant 0 : i32
        %dma_wait3A_31 = tpu.memref_slice %arg2[%add3A_17, %dma_wait3A_30] : memref<4096x4096xf32, #tpu.memory_space<hbm>> -> memref<8x4096xf32, #tpu.memory_space<hbm>>
        tpu.wait_dma2 semaphore(%run_scoped3A : memref<!tpu.dma_semaphore, #tpu.memory_space<semaphore_mem>>) src(%dma_wait3A_31 : memref<8x4096xf32, #tpu.memory_space<hbm>>) dst(%arg4 : memref<8x4096xf32, #tpu.memory_space<vmem>>)
        tpu.yield
      }) : () -> ()
      %scan3A_18 = arith.constant 0 : i32
      %scan3A_19 = arith.constant 0 : i32
      %scan3A_20 = arith.constant 8 : i32
      %scan3A_21 = arith.addi %scan3A_19, %scan3A_20 : i32
      %scan3A_22 = arith.constant 1 : i32
      %scan3A_23 = scf.for %scan3A_26 = %scan3A_19 to %scan3A_21 step %scan3A_22 iter_args(%scan3A_27 = %scan3A_18) -> (i32)  : i32 {
        %scan3A_28 = arith.constant 0 : i32
        %scan3A_29 = arith.constant 0 : i32
        %scan3A_30 = arith.constant 32 : i32
        %scan3A_31 = arith.addi %scan3A_29, %scan3A_30 : i32
        %scan3A_32 = arith.constant 1 : i32
        %scan3A_33 = scf.for %scan3A_100 = %scan3A_29 to %scan3A_31 step %scan3A_32 iter_args(%scan3A_101 = %scan3A_28) -> (i32)  : i32 {
          %mul3A_102 = arith.constant 8 : i32
          %mul3A_103 = arith.muli %scan3A_100, %mul3A_102 : i32
          %add3A_104 = arith.constant 0 : i32
          %add3A_105 = arith.addi %mul3A_103, %add3A_104 : i32
          %mul3A_106 = arith.constant 16 : i32
          %mul3A_107 = arith.muli %add3A_105, %mul3A_106 : i32
          %swap3A = arith.index_cast %mul3A_107 : i32 to index
          %swap3A_108 = tpu.vector_load %arg5[%swap3A] {strides = array<i32>} : memref<4096xi32, #tpu.memory_space<vmem>>, vector<16xi32>,
          tpu.vector_store %arg5[%swap3A], %broadcast_in_dim3A_3 {strides = array<i32>} : memref<4096xi32, #tpu.memory_space<vmem>>, vector<16xi32>,
          %mul3A_109 = arith.constant 8 : i32
          %mul3A_110 = arith.muli %scan3A_100, %mul3A_109 : i32
          %add3A_111 = arith.constant 1 : i32
          %add3A_112 = arith.addi %mul3A_110, %add3A_111 : i32
          %mul3A_113 = arith.constant 16 : i32
          %mul3A_114 = arith.muli %add3A_112, %mul3A_113 : i32
          %swap3A_115 = arith.index_cast %mul3A_114 : i32 to index
          %swap3A_116 = tpu.vector_load %arg5[%swap3A_115] {strides = array<i32>} : memref<4096xi32, #tpu.memory_space<vmem>>, vector<16xi32>,
          tpu.vector_store %arg5[%swap3A_115], %broadcast_in_dim3A_3 {strides = array<i32>} : memref<4096xi32, #tpu.memory_space<vmem>>, vector<16xi32>,
          %mul3A_117 = arith.constant 8 : i32
          %mul3A_118 = arith.muli %scan3A_100, %mul3A_117 : i32
          %add3A_119 = arith.constant 2 : i32
          %add3A_120 = arith.addi %mul3A_118, %add3A_119 : i32
          %mul3A_121 = arith.constant 16 : i32
          %mul3A_122 = arith.muli %add3A_120, %mul3A_121 : i32
          %swap3A_123 = arith.index_cast %mul3A_122 : i32 to index
          %swap3A_124 = tpu.vector_load %arg5[%swap3A_123] {strides = array<i32>} : memref<4096xi32, #tpu.memory_space<vmem>>, vector<16xi32>,
          tpu.vector_store %arg5[%swap3A_123], %broadcast_in_dim3A_3 {strides = array<i32>} : memref<4096xi32, #tpu.memory_space<vmem>>, vector<16xi32>,
          %mul3A_125 = arith.constant 8 : i32
          %mul3A_126 = arith.muli %scan3A_100, %mul3A_125 : i32
          %add3A_127 = arith.constant 3 : i32
          %add3A_128 = arith.addi %mul3A_126, %add3A_127 : i32
          %mul3A_129 = arith.constant 16 : i32
          %mul3A_130 = arith.muli %add3A_128, %mul3A_129 : i32
          %swap3A_131 = arith.index_cast %mul3A_130 : i32 to index
          %swap3A_132 = tpu.vector_load %arg5[%swap3A_131] {strides = array<i32>} : memref<4096xi32, #tpu.memory_space<vmem>>, vector<16xi32>,
          tpu.vector_store %arg5[%swap3A_131], %broadcast_in_dim3A_3 {strides = array<i32>} : memref<4096xi32, #tpu.memory_space<vmem>>, vector<16xi32>,
          %mul3A_133 = arith.constant 8 : i32
          %mul3A_134 = arith.muli %scan3A_100, %mul3A_133 : i32
          %add3A_135 = arith.constant 4 : i32
          %add3A_136 = arith.addi %mul3A_134, %add3A_135 : i32
          %mul3A_137 = arith.constant 16 : i32
          %mul3A_138 = arith.muli %add3A_136, %mul3A_137 : i32
          %swap3A_139 = arith.index_cast %mul3A_138 : i32 to index
          %swap3A_140 = tpu.vector_load %arg5[%swap3A_139] {strides = array<i32>} : memref<4096xi32, #tpu.memory_space<vmem>>, vector<16xi32>,
          tpu.vector_store %arg5[%swap3A_139], %broadcast_in_dim3A_3 {strides = array<i32>} : memref<4096xi32, #tpu.memory_space<vmem>>, vector<16xi32>,
          %mul3A_141 = arith.constant 8 : i32
          %mul3A_142 = arith.muli %scan3A_100, %mul3A_141 : i32
          %add3A_143 = arith.constant 5 : i32
          %add3A_144 = arith.addi %mul3A_142, %add3A_143 : i32
          %mul3A_145 = arith.constant 16 : i32
          %mul3A_146 = arith.muli %add3A_144, %mul3A_145 : i32
          %swap3A_147 = arith.index_cast %mul3A_146 : i32 to index
          %swap3A_148 = tpu.vector_load %arg5[%swap3A_147] {strides = array<i32>} : memref<4096xi32, #tpu.memory_space<vmem>>, vector<16xi32>,
          tpu.vector_store %arg5[%swap3A_147], %broadcast_in_dim3A_3 {strides = array<i32>} : memref<4096xi32, #tpu.memory_space<vmem>>, vector<16xi32>,
          %mul3A_149 = arith.constant 8 : i32
          %mul3A_150 = arith.muli %scan3A_100, %mul3A_149 : i32
          %add3A_151 = arith.constant 6 : i32
          %add3A_152 = arith.addi %mul3A_150, %add3A_151 : i32
          %mul3A_153 = arith.constant 16 : i32
          %mul3A_154 = arith.muli %add3A_152, %mul3A_153 : i32
          %swap3A_155 = arith.index_cast %mul3A_154 : i32 to index
          %swap3A_156 = tpu.vector_load %arg5[%swap3A_155] {strides = array<i32>} : memref<4096xi32, #tpu.memory_space<vmem>>, vector<16xi32>,
          tpu.vector_store %arg5[%swap3A_155], %broadcast_in_dim3A_3 {strides = array<i32>} : memref<4096xi32, #tpu.memory_space<vmem>>, vector<16xi32>,
          %mul3A_157 = arith.constant 8 : i32
          %mul3A_158 = arith.muli %scan3A_100, %mul3A_157 : i32
          %add3A_159 = arith.constant 7 : i32
          %add3A_160 = arith.addi %mul3A_158, %add3A_159 : i32
          %mul3A_161 = arith.constant 16 : i32
          %mul3A_162 = arith.muli %add3A_160, %mul3A_161 : i32
          %swap3A_163 = arith.index_cast %mul3A_162 : i32 to index
          %swap3A_164 = tpu.vector_load %arg5[%swap3A_163] {strides = array<i32>} : memref<4096xi32, #tpu.memory_space<vmem>>, vector<16xi32>,
          tpu.vector_store %arg5[%swap3A_163], %broadcast_in_dim3A_3 {strides = array<i32>} : memref<4096xi32, #tpu.memory_space<vmem>>, vector<16xi32>,
          %scan3A_165 = arith.constant 0 : i32
          scf.yield %scan3A_165 : i32
        }
        %scan3A_34 = arith.constant 32 : i32
        %scan3A_35 = arith.constant 0 : i32
        %scan3A_36 = arith.constant 0 : i32
        %scan3A_37 = arith.constant 32 : i32
        %scan3A_38 = arith.addi %scan3A_36, %scan3A_37 : i32
        %scan3A_39 = arith.constant 1 : i32
        %scan3A_40 = scf.for %scan3A_100 = %scan3A_36 to %scan3A_38 step %scan3A_39 iter_args(%scan3A_101 = %scan3A_35) -> (i32)  : i32 {
          %mul3A_102 = arith.constant 8 : i32
          %mul3A_103 = arith.muli %scan3A_100, %mul3A_102 : i32
          %add3A_104 = arith.constant 0 : i32
          %add3A_105 = arith.addi %mul3A_103, %add3A_104 : i32
          %mul3A_106 = arith.constant 16 : i32
          %mul3A_107 = arith.muli %add3A_105, %mul3A_106 : i32
          %get3A = arith.index_cast %scan3A_26 : i32 to index
          %get3A_108 = arith.index_cast %mul3A_107 : i32 to index
          %get3A_109 = tpu.vector_load %arg4[%get3A, %get3A_108] {strides = array<i32>} : memref<8x4096xf32, #tpu.memory_space<vmem>>, vector<16xf32>,
          %mul3A_110 = vector.broadcast %scan3A : f32 to vector<16xf32>
          %mul3A_111 = arith.mulf %get3A_109, %mul3A_110 : vector<16xf32>
          %add3A_112 = vector.broadcast %scan3A : f32 to vector<16xf32>
          %add3A_113 = arith.addf %mul3A_111, %add3A_112 : vector<16xf32>
          %convert_element_type3A = arith.fptosi %add3A_113 : vector<16xf32> to vector<16xi32>
          %jit3A_114 = arith.constant 0 : i32
          %jit3A_115 = arith.constant 255 : i32
          %max3A = vector.broadcast %jit3A_114 : i32 to vector<16xi32>
          %max3A_116 = arith.maxsi %max3A, %convert_element_type3A : vector<16xi32>
          %min3A = vector.broadcast %jit3A_115 : i32 to vector<16xi32>
          %min3A_117 = arith.minsi %min3A, %max3A_116 : vector<16xi32>
          %mul3A_118 = arith.constant 16 : i32
          %mul3A_119 = vector.broadcast %mul3A_118 : i32 to vector<16xi32>
          %mul3A_120 = arith.muli %min3A_117, %mul3A_119 : vector<16xi32>
          %add3A_121 = arith.addi %mul3A_120, %iota3A : vector<16xi32>
          tpu.vector_store_idx %arg5[%add3A_121], %broadcast_in_dim3A_5 {add = true} : memref<4096xi32, #tpu.memory_space<vmem>>[vector<16xi32>], vector<16xi32>,
          %mul3A_122 = arith.constant 8 : i32
          %mul3A_123 = arith.muli %scan3A_100, %mul3A_122 : i32
          %add3A_124 = arith.constant 1 : i32
          %add3A_125 = arith.addi %mul3A_123, %add3A_124 : i32
          %mul3A_126 = arith.constant 16 : i32
          %mul3A_127 = arith.muli %add3A_125, %mul3A_126 : i32
          %get3A_128 = arith.index_cast %scan3A_26 : i32 to index
          %get3A_129 = arith.index_cast %mul3A_127 : i32 to index
          %get3A_130 = tpu.vector_load %arg4[%get3A_128, %get3A_129] {strides = array<i32>} : memref<8x4096xf32, #tpu.memory_space<vmem>>, vector<16xf32>,
          %mul3A_131 = vector.broadcast %scan3A : f32 to vector<16xf32>
          %mul3A_132 = arith.mulf %get3A_130, %mul3A_131 : vector<16xf32>
          %add3A_133 = vector.broadcast %scan3A : f32 to vector<16xf32>
          %add3A_134 = arith.addf %mul3A_132, %add3A_133 : vector<16xf32>
          %convert_element_type3A_135 = arith.fptosi %add3A_134 : vector<16xf32> to vector<16xi32>
          %jit3A_136 = arith.constant 0 : i32
          %jit3A_137 = arith.constant 255 : i32
          %max3A_138 = vector.broadcast %jit3A_136 : i32 to vector<16xi32>
          %max3A_139 = arith.maxsi %max3A_138, %convert_element_type3A_135 : vector<16xi32>
          %min3A_140 = vector.broadcast %jit3A_137 : i32 to vector<16xi32>
          %min3A_141 = arith.minsi %min3A_140, %max3A_139 : vector<16xi32>
          %mul3A_142 = arith.constant 16 : i32
          %mul3A_143 = vector.broadcast %mul3A_142 : i32 to vector<16xi32>
          %mul3A_144 = arith.muli %min3A_141, %mul3A_143 : vector<16xi32>
          %add3A_145 = arith.addi %mul3A_144, %iota3A : vector<16xi32>
          tpu.vector_store_idx %arg5[%add3A_145], %broadcast_in_dim3A_5 {add = true} : memref<4096xi32, #tpu.memory_space<vmem>>[vector<16xi32>], vector<16xi32>,
          %mul3A_146 = arith.constant 8 : i32
          %mul3A_147 = arith.muli %scan3A_100, %mul3A_146 : i32
          %add3A_148 = arith.constant 2 : i32
          %add3A_149 = arith.addi %mul3A_147, %add3A_148 : i32
          %mul3A_150 = arith.constant 16 : i32
          %mul3A_151 = arith.muli %add3A_149, %mul3A_150 : i32
          %get3A_152 = arith.index_cast %scan3A_26 : i32 to index
          %get3A_153 = arith.index_cast %mul3A_151 : i32 to index
          %get3A_154 = tpu.vector_load %arg4[%get3A_152, %get3A_153] {strides = array<i32>} : memref<8x4096xf32, #tpu.memory_space<vmem>>, vector<16xf32>,
          %mul3A_155 = vector.broadcast %scan3A : f32 to vector<16xf32>
          %mul3A_156 = arith.mulf %get3A_154, %mul3A_155 : vector<16xf32>
          %add3A_157 = vector.broadcast %scan3A : f32 to vector<16xf32>
          %add3A_158 = arith.addf %mul3A_156, %add3A_157 : vector<16xf32>
          %convert_element_type3A_159 = arith.fptosi %add3A_158 : vector<16xf32> to vector<16xi32>
          %jit3A_160 = arith.constant 0 : i32
          %jit3A_161 = arith.constant 255 : i32
          %max3A_162 = vector.broadcast %jit3A_160 : i32 to vector<16xi32>
          %max3A_163 = arith.maxsi %max3A_162, %convert_element_type3A_159 : vector<16xi32>
          %min3A_164 = vector.broadcast %jit3A_161 : i32 to vector<16xi32>
          %min3A_165 = arith.minsi %min3A_164, %max3A_163 : vector<16xi32>
          %mul3A_166 = arith.constant 16 : i32
          %mul3A_167 = vector.broadcast %mul3A_166 : i32 to vector<16xi32>
          %mul3A_168 = arith.muli %min3A_165, %mul3A_167 : vector<16xi32>
          %add3A_169 = arith.addi %mul3A_168, %iota3A : vector<16xi32>
          tpu.vector_store_idx %arg5[%add3A_169], %broadcast_in_dim3A_5 {add = true} : memref<4096xi32, #tpu.memory_space<vmem>>[vector<16xi32>], vector<16xi32>,
          %mul3A_170 = arith.constant 8 : i32
          %mul3A_171 = arith.muli %scan3A_100, %mul3A_170 : i32
          %add3A_172 = arith.constant 3 : i32
          %add3A_173 = arith.addi %mul3A_171, %add3A_172 : i32
          %mul3A_174 = arith.constant 16 : i32
          %mul3A_175 = arith.muli %add3A_173, %mul3A_174 : i32
          %get3A_176 = arith.index_cast %scan3A_26 : i32 to index
          %get3A_177 = arith.index_cast %mul3A_175 : i32 to index
          %get3A_178 = tpu.vector_load %arg4[%get3A_176, %get3A_177] {strides = array<i32>} : memref<8x4096xf32, #tpu.memory_space<vmem>>, vector<16xf32>,
          %mul3A_179 = vector.broadcast %scan3A : f32 to vector<16xf32>
          %mul3A_180 = arith.mulf %get3A_178, %mul3A_179 : vector<16xf32>
          %add3A_181 = vector.broadcast %scan3A : f32 to vector<16xf32>
          %add3A_182 = arith.addf %mul3A_180, %add3A_181 : vector<16xf32>
          %convert_element_type3A_183 = arith.fptosi %add3A_182 : vector<16xf32> to vector<16xi32>
          %jit3A_184 = arith.constant 0 : i32
          %jit3A_185 = arith.constant 255 : i32
          %max3A_186 = vector.broadcast %jit3A_184 : i32 to vector<16xi32>
          %max3A_187 = arith.maxsi %max3A_186, %convert_element_type3A_183 : vector<16xi32>
          %min3A_188 = vector.broadcast %jit3A_185 : i32 to vector<16xi32>
          %min3A_189 = arith.minsi %min3A_188, %max3A_187 : vector<16xi32>
          %mul3A_190 = arith.constant 16 : i32
          %mul3A_191 = vector.broadcast %mul3A_190 : i32 to vector<16xi32>
          %mul3A_192 = arith.muli %min3A_189, %mul3A_191 : vector<16xi32>
          %add3A_193 = arith.addi %mul3A_192, %iota3A : vector<16xi32>
          tpu.vector_store_idx %arg5[%add3A_193], %broadcast_in_dim3A_5 {add = true} : memref<4096xi32, #tpu.memory_space<vmem>>[vector<16xi32>], vector<16xi32>,
          %mul3A_194 = arith.constant 8 : i32
          %mul3A_195 = arith.muli %scan3A_100, %mul3A_194 : i32
          %add3A_196 = arith.constant 4 : i32
          %add3A_197 = arith.addi %mul3A_195, %add3A_196 : i32
          %mul3A_198 = arith.constant 16 : i32
          %mul3A_199 = arith.muli %add3A_197, %mul3A_198 : i32
          %get3A_200 = arith.index_cast %scan3A_26 : i32 to index
          %get3A_201 = arith.index_cast %mul3A_199 : i32 to index
          %get3A_202 = tpu.vector_load %arg4[%get3A_200, %get3A_201] {strides = array<i32>} : memref<8x4096xf32, #tpu.memory_space<vmem>>, vector<16xf32>,
          %mul3A_203 = vector.broadcast %scan3A : f32 to vector<16xf32>
          %mul3A_204 = arith.mulf %get3A_202, %mul3A_203 : vector<16xf32>
          %add3A_205 = vector.broadcast %scan3A : f32 to vector<16xf32>
          %add3A_206 = arith.addf %mul3A_204, %add3A_205 : vector<16xf32>
          %convert_element_type3A_207 = arith.fptosi %add3A_206 : vector<16xf32> to vector<16xi32>
          %jit3A_208 = arith.constant 0 : i32
          %jit3A_209 = arith.constant 255 : i32
          %max3A_210 = vector.broadcast %jit3A_208 : i32 to vector<16xi32>
          %max3A_211 = arith.maxsi %max3A_210, %convert_element_type3A_207 : vector<16xi32>
          %min3A_212 = vector.broadcast %jit3A_209 : i32 to vector<16xi32>
          %min3A_213 = arith.minsi %min3A_212, %max3A_211 : vector<16xi32>
          %mul3A_214 = arith.constant 16 : i32
          %mul3A_215 = vector.broadcast %mul3A_214 : i32 to vector<16xi32>
          %mul3A_216 = arith.muli %min3A_213, %mul3A_215 : vector<16xi32>
          %add3A_217 = arith.addi %mul3A_216, %iota3A : vector<16xi32>
          tpu.vector_store_idx %arg5[%add3A_217], %broadcast_in_dim3A_5 {add = true} : memref<4096xi32, #tpu.memory_space<vmem>>[vector<16xi32>], vector<16xi32>,
          %mul3A_218 = arith.constant 8 : i32
          %mul3A_219 = arith.muli %scan3A_100, %mul3A_218 : i32
          %add3A_220 = arith.constant 5 : i32
          %add3A_221 = arith.addi %mul3A_219, %add3A_220 : i32
          %mul3A_222 = arith.constant 16 : i32
          %mul3A_223 = arith.muli %add3A_221, %mul3A_222 : i32
          %get3A_224 = arith.index_cast %scan3A_26 : i32 to index
          %get3A_225 = arith.index_cast %mul3A_223 : i32 to index
          %get3A_226 = tpu.vector_load %arg4[%get3A_224, %get3A_225] {strides = array<i32>} : memref<8x4096xf32, #tpu.memory_space<vmem>>, vector<16xf32>,
          %mul3A_227 = vector.broadcast %scan3A : f32 to vector<16xf32>
          %mul3A_228 = arith.mulf %get3A_226, %mul3A_227 : vector<16xf32>
          %add3A_229 = vector.broadcast %scan3A : f32 to vector<16xf32>
          %add3A_230 = arith.addf %mul3A_228, %add3A_229 : vector<16xf32>
          %convert_element_type3A_231 = arith.fptosi %add3A_230 : vector<16xf32> to vector<16xi32>
          %jit3A_232 = arith.constant 0 : i32
          %jit3A_233 = arith.constant 255 : i32
          %max3A_234 = vector.broadcast %jit3A_232 : i32 to vector<16xi32>
          %max3A_235 = arith.maxsi %max3A_234, %convert_element_type3A_231 : vector<16xi32>
          %min3A_236 = vector.broadcast %jit3A_233 : i32 to vector<16xi32>
          %min3A_237 = arith.minsi %min3A_236, %max3A_235 : vector<16xi32>
          %mul3A_238 = arith.constant 16 : i32
          %mul3A_239 = vector.broadcast %mul3A_238 : i32 to vector<16xi32>
          %mul3A_240 = arith.muli %min3A_237, %mul3A_239 : vector<16xi32>
          %add3A_241 = arith.addi %mul3A_240, %iota3A : vector<16xi32>
          tpu.vector_store_idx %arg5[%add3A_241], %broadcast_in_dim3A_5 {add = true} : memref<4096xi32, #tpu.memory_space<vmem>>[vector<16xi32>], vector<16xi32>,
          %mul3A_242 = arith.constant 8 : i32
          %mul3A_243 = arith.muli %scan3A_100, %mul3A_242 : i32
          %add3A_244 = arith.constant 6 : i32
          %add3A_245 = arith.addi %mul3A_243, %add3A_244 : i32
          %mul3A_246 = arith.constant 16 : i32
          %mul3A_247 = arith.muli %add3A_245, %mul3A_246 : i32
          %get3A_248 = arith.index_cast %scan3A_26 : i32 to index
          %get3A_249 = arith.index_cast %mul3A_247 : i32 to index
          %get3A_250 = tpu.vector_load %arg4[%get3A_248, %get3A_249] {strides = array<i32>} : memref<8x4096xf32, #tpu.memory_space<vmem>>, vector<16xf32>,
          %mul3A_251 = vector.broadcast %scan3A : f32 to vector<16xf32>
          %mul3A_252 = arith.mulf %get3A_250, %mul3A_251 : vector<16xf32>
          %add3A_253 = vector.broadcast %scan3A : f32 to vector<16xf32>
          %add3A_254 = arith.addf %mul3A_252, %add3A_253 : vector<16xf32>
          %convert_element_type3A_255 = arith.fptosi %add3A_254 : vector<16xf32> to vector<16xi32>
          %jit3A_256 = arith.constant 0 : i32
          %jit3A_257 = arith.constant 255 : i32
          %max3A_258 = vector.broadcast %jit3A_256 : i32 to vector<16xi32>
          %max3A_259 = arith.maxsi %max3A_258, %convert_element_type3A_255 : vector<16xi32>
          %min3A_260 = vector.broadcast %jit3A_257 : i32 to vector<16xi32>
          %min3A_261 = arith.minsi %min3A_260, %max3A_259 : vector<16xi32>
          %mul3A_262 = arith.constant 16 : i32
          %mul3A_263 = vector.broadcast %mul3A_262 : i32 to vector<16xi32>
          %mul3A_264 = arith.muli %min3A_261, %mul3A_263 : vector<16xi32>
          %add3A_265 = arith.addi %mul3A_264, %iota3A : vector<16xi32>
          tpu.vector_store_idx %arg5[%add3A_265], %broadcast_in_dim3A_5 {add = true} : memref<4096xi32, #tpu.memory_space<vmem>>[vector<16xi32>], vector<16xi32>,
          %mul3A_266 = arith.constant 8 : i32
          %mul3A_267 = arith.muli %scan3A_100, %mul3A_266 : i32
          %add3A_268 = arith.constant 7 : i32
          %add3A_269 = arith.addi %mul3A_267, %add3A_268 : i32
          %mul3A_270 = arith.constant 16 : i32
          %mul3A_271 = arith.muli %add3A_269, %mul3A_270 : i32
          %get3A_272 = arith.index_cast %scan3A_26 : i32 to index
          %get3A_273 = arith.index_cast %mul3A_271 : i32 to index
          %get3A_274 = tpu.vector_load %arg4[%get3A_272, %get3A_273] {strides = array<i32>} : memref<8x4096xf32, #tpu.memory_space<vmem>>, vector<16xf32>,
          %mul3A_275 = vector.broadcast %scan3A : f32 to vector<16xf32>
          %mul3A_276 = arith.mulf %get3A_274, %mul3A_275 : vector<16xf32>
          %add3A_277 = vector.broadcast %scan3A : f32 to vector<16xf32>
          %add3A_278 = arith.addf %mul3A_276, %add3A_277 : vector<16xf32>
          %convert_element_type3A_279 = arith.fptosi %add3A_278 : vector<16xf32> to vector<16xi32>
          %jit3A_280 = arith.constant 0 : i32
          %jit3A_281 = arith.constant 255 : i32
          %max3A_282 = vector.broadcast %jit3A_280 : i32 to vector<16xi32>
          %max3A_283 = arith.maxsi %max3A_282, %convert_element_type3A_279 : vector<16xi32>
          %min3A_284 = vector.broadcast %jit3A_281 : i32 to vector<16xi32>
          %min3A_285 = arith.minsi %min3A_284, %max3A_283 : vector<16xi32>
          %mul3A_286 = arith.constant 16 : i32
          %mul3A_287 = vector.broadcast %mul3A_286 : i32 to vector<16xi32>
          %mul3A_288 = arith.muli %min3A_285, %mul3A_287 : vector<16xi32>
          %add3A_289 = arith.addi %mul3A_288, %iota3A : vector<16xi32>
          tpu.vector_store_idx %arg5[%add3A_289], %broadcast_in_dim3A_5 {add = true} : memref<4096xi32, #tpu.memory_space<vmem>>[vector<16xi32>], vector<16xi32>,
          %scan3A_290 = arith.constant 0 : i32
          scf.yield %scan3A_290 : i32
        }
        %scan3A_41 = arith.constant 32 : i32
        %scan3A_42 = arith.constant 0 : i32
        %scan3A_43 = arith.constant 0 : i32
        %scan3A_44 = arith.constant 0 : i32
        %scan3A_45 = arith.constant 0 : i32
        %scan3A_46 = arith.constant 0 : i32
        %scan3A_47 = arith.constant 16 : i32
        %scan3A_48 = arith.addi %scan3A_46, %scan3A_47 : i32
        %scan3A_49 = arith.constant 1 : i32
        %scan3A_50:4 = scf.for %scan3A_100 = %scan3A_46 to %scan3A_48 step %scan3A_49 iter_args(%scan3A_101 = %scan3A_42, %scan3A_102 = %scan3A_43, %scan3A_103 = %scan3A_44, %scan3A_104 = %scan3A_45) -> (i32, i32, i32, i32)  : i32 {
          %sub3A_105 = arith.constant 15 : i32
          %sub3A_106 = arith.subi %sub3A_105, %scan3A_100 : i32
          %mul3A_107 = arith.constant 16 : i32
          %mul3A_108 = arith.muli %sub3A_106, %mul3A_107 : i32
          %add3A_109 = arith.constant 0 : i32
          %add3A_110 = arith.addi %mul3A_108, %add3A_109 : i32
          %mul3A_111 = arith.constant 16 : i32
          %mul3A_112 = arith.muli %add3A_110, %mul3A_111 : i32
          %get3A = arith.index_cast %mul3A_112 : i32 to index
          %get3A_113 = tpu.vector_load %arg5[%get3A] {strides = array<i32>} : memref<4096xi32, #tpu.memory_space<vmem>>, vector<16xi32>,
          %add3A_114 = arith.addi %broadcast_in_dim3A_3, %get3A_113 : vector<16xi32>
          %mul3A_115 = arith.constant 16 : i32
          %mul3A_116 = arith.muli %sub3A_106, %mul3A_115 : i32
          %add3A_117 = arith.constant 1 : i32
          %add3A_118 = arith.addi %mul3A_116, %add3A_117 : i32
          %mul3A_119 = arith.constant 16 : i32
          %mul3A_120 = arith.muli %add3A_118, %mul3A_119 : i32
          %get3A_121 = arith.index_cast %mul3A_120 : i32 to index
          %get3A_122 = tpu.vector_load %arg5[%get3A_121] {strides = array<i32>} : memref<4096xi32, #tpu.memory_space<vmem>>, vector<16xi32>,
          %add3A_123 = arith.addi %add3A_114, %get3A_122 : vector<16xi32>
          %mul3A_124 = arith.constant 16 : i32
          %mul3A_125 = arith.muli %sub3A_106, %mul3A_124 : i32
          %add3A_126 = arith.constant 2 : i32
          %add3A_127 = arith.addi %mul3A_125, %add3A_126 : i32
          %mul3A_128 = arith.constant 16 : i32
          %mul3A_129 = arith.muli %add3A_127, %mul3A_128 : i32
          %get3A_130 = arith.index_cast %mul3A_129 : i32 to index
          %get3A_131 = tpu.vector_load %arg5[%get3A_130] {strides = array<i32>} : memref<4096xi32, #tpu.memory_space<vmem>>, vector<16xi32>,
          %add3A_132 = arith.addi %add3A_123, %get3A_131 : vector<16xi32>
          %mul3A_133 = arith.constant 16 : i32
          %mul3A_134 = arith.muli %sub3A_106, %mul3A_133 : i32
          %add3A_135 = arith.constant 3 : i32
          %add3A_136 = arith.addi %mul3A_134, %add3A_135 : i32
          %mul3A_137 = arith.constant 16 : i32
          %mul3A_138 = arith.muli %add3A_136, %mul3A_137 : i32
          %get3A_139 = arith.index_cast %mul3A_138 : i32 to index
          %get3A_140 = tpu.vector_load %arg5[%get3A_139] {strides = array<i32>} : memref<4096xi32, #tpu.memory_space<vmem>>, vector<16xi32>,
          %add3A_141 = arith.addi %add3A_132, %get3A_140 : vector<16xi32>
          %mul3A_142 = arith.constant 16 : i32
          %mul3A_143 = arith.muli %sub3A_106, %mul3A_142 : i32
          %add3A_144 = arith.constant 4 : i32
          %add3A_145 = arith.addi %mul3A_143, %add3A_144 : i32
          %mul3A_146 = arith.constant 16 : i32
          %mul3A_147 = arith.muli %add3A_145, %mul3A_146 : i32
          %get3A_148 = arith.index_cast %mul3A_147 : i32 to index
          %get3A_149 = tpu.vector_load %arg5[%get3A_148] {strides = array<i32>} : memref<4096xi32, #tpu.memory_space<vmem>>, vector<16xi32>,
          %add3A_150 = arith.addi %add3A_141, %get3A_149 : vector<16xi32>
          %mul3A_151 = arith.constant 16 : i32
          %mul3A_152 = arith.muli %sub3A_106, %mul3A_151 : i32
          %add3A_153 = arith.constant 5 : i32
          %add3A_154 = arith.addi %mul3A_152, %add3A_153 : i32
          %mul3A_155 = arith.constant 16 : i32
          %mul3A_156 = arith.muli %add3A_154, %mul3A_155 : i32
          %get3A_157 = arith.index_cast %mul3A_156 : i32 to index
          %get3A_158 = tpu.vector_load %arg5[%get3A_157] {strides = array<i32>} : memref<4096xi32, #tpu.memory_space<vmem>>, vector<16xi32>,
          %add3A_159 = arith.addi %add3A_150, %get3A_158 : vector<16xi32>
          %mul3A_160 = arith.constant 16 : i32
          %mul3A_161 = arith.muli %sub3A_106, %mul3A_160 : i32
          %add3A_162 = arith.constant 6 : i32
          %add3A_163 = arith.addi %mul3A_161, %add3A_162 : i32
          %mul3A_164 = arith.constant 16 : i32
          %mul3A_165 = arith.muli %add3A_163, %mul3A_164 : i32
          %get3A_166 = arith.index_cast %mul3A_165 : i32 to index
          %get3A_167 = tpu.vector_load %arg5[%get3A_166] {strides = array<i32>} : memref<4096xi32, #tpu.memory_space<vmem>>, vector<16xi32>,
          %add3A_168 = arith.addi %add3A_159, %get3A_167 : vector<16xi32>
          %mul3A_169 = arith.constant 16 : i32
          %mul3A_170 = arith.muli %sub3A_106, %mul3A_169 : i32
          %add3A_171 = arith.constant 7 : i32
          %add3A_172 = arith.addi %mul3A_170, %add3A_171 : i32
          %mul3A_173 = arith.constant 16 : i32
          %mul3A_174 = arith.muli %add3A_172, %mul3A_173 : i32
          %get3A_175 = arith.index_cast %mul3A_174 : i32 to index
          %get3A_176 = tpu.vector_load %arg5[%get3A_175] {strides = array<i32>} : memref<4096xi32, #tpu.memory_space<vmem>>, vector<16xi32>,
          %add3A_177 = arith.addi %add3A_168, %get3A_176 : vector<16xi32>
          %mul3A_178 = arith.constant 16 : i32
          %mul3A_179 = arith.muli %sub3A_106, %mul3A_178 : i32
          %add3A_180 = arith.constant 8 : i32
          %add3A_181 = arith.addi %mul3A_179, %add3A_180 : i32
          %mul3A_182 = arith.constant 16 : i32
          %mul3A_183 = arith.muli %add3A_181, %mul3A_182 : i32
          %get3A_184 = arith.index_cast %mul3A_183 : i32 to index
          %get3A_185 = tpu.vector_load %arg5[%get3A_184] {strides = array<i32>} : memref<4096xi32, #tpu.memory_space<vmem>>, vector<16xi32>,
          %add3A_186 = arith.addi %add3A_177, %get3A_185 : vector<16xi32>
          %mul3A_187 = arith.constant 16 : i32
          %mul3A_188 = arith.muli %sub3A_106, %mul3A_187 : i32
          %add3A_189 = arith.constant 9 : i32
          %add3A_190 = arith.addi %mul3A_188, %add3A_189 : i32
          %mul3A_191 = arith.constant 16 : i32
          %mul3A_192 = arith.muli %add3A_190, %mul3A_191 : i32
          %get3A_193 = arith.index_cast %mul3A_192 : i32 to index
          %get3A_194 = tpu.vector_load %arg5[%get3A_193] {strides = array<i32>} : memref<4096xi32, #tpu.memory_space<vmem>>, vector<16xi32>,
          %add3A_195 = arith.addi %add3A_186, %get3A_194 : vector<16xi32>
          %mul3A_196 = arith.constant 16 : i32
          %mul3A_197 = arith.muli %sub3A_106, %mul3A_196 : i32
          %add3A_198 = arith.constant 10 : i32
          %add3A_199 = arith.addi %mul3A_197, %add3A_198 : i32
          %mul3A_200 = arith.constant 16 : i32
          %mul3A_201 = arith.muli %add3A_199, %mul3A_200 : i32
          %get3A_202 = arith.index_cast %mul3A_201 : i32 to index
          %get3A_203 = tpu.vector_load %arg5[%get3A_202] {strides = array<i32>} : memref<4096xi32, #tpu.memory_space<vmem>>, vector<16xi32>,
          %add3A_204 = arith.addi %add3A_195, %get3A_203 : vector<16xi32>
          %mul3A_205 = arith.constant 16 : i32
          %mul3A_206 = arith.muli %sub3A_106, %mul3A_205 : i32
          %add3A_207 = arith.constant 11 : i32
          %add3A_208 = arith.addi %mul3A_206, %add3A_207 : i32
          %mul3A_209 = arith.constant 16 : i32
          %mul3A_210 = arith.muli %add3A_208, %mul3A_209 : i32
          %get3A_211 = arith.index_cast %mul3A_210 : i32 to index
          %get3A_212 = tpu.vector_load %arg5[%get3A_211] {strides = array<i32>} : memref<4096xi32, #tpu.memory_space<vmem>>, vector<16xi32>,
          %add3A_213 = arith.addi %add3A_204, %get3A_212 : vector<16xi32>
          %mul3A_214 = arith.constant 16 : i32
          %mul3A_215 = arith.muli %sub3A_106, %mul3A_214 : i32
          %add3A_216 = arith.constant 12 : i32
          %add3A_217 = arith.addi %mul3A_215, %add3A_216 : i32
          %mul3A_218 = arith.constant 16 : i32
          %mul3A_219 = arith.muli %add3A_217, %mul3A_218 : i32
          %get3A_220 = arith.index_cast %mul3A_219 : i32 to index
          %get3A_221 = tpu.vector_load %arg5[%get3A_220] {strides = array<i32>} : memref<4096xi32, #tpu.memory_space<vmem>>, vector<16xi32>,
          %add3A_222 = arith.addi %add3A_213, %get3A_221 : vector<16xi32>
          %mul3A_223 = arith.constant 16 : i32
          %mul3A_224 = arith.muli %sub3A_106, %mul3A_223 : i32
          %add3A_225 = arith.constant 13 : i32
          %add3A_226 = arith.addi %mul3A_224, %add3A_225 : i32
          %mul3A_227 = arith.constant 16 : i32
          %mul3A_228 = arith.muli %add3A_226, %mul3A_227 : i32
          %get3A_229 = arith.index_cast %mul3A_228 : i32 to index
          %get3A_230 = tpu.vector_load %arg5[%get3A_229] {strides = array<i32>} : memref<4096xi32, #tpu.memory_space<vmem>>, vector<16xi32>,
          %add3A_231 = arith.addi %add3A_222, %get3A_230 : vector<16xi32>
          %mul3A_232 = arith.constant 16 : i32
          %mul3A_233 = arith.muli %sub3A_106, %mul3A_232 : i32
          %add3A_234 = arith.constant 14 : i32
          %add3A_235 = arith.addi %mul3A_233, %add3A_234 : i32
          %mul3A_236 = arith.constant 16 : i32
          %mul3A_237 = arith.muli %add3A_235, %mul3A_236 : i32
          %get3A_238 = arith.index_cast %mul3A_237 : i32 to index
          %get3A_239 = tpu.vector_load %arg5[%get3A_238] {strides = array<i32>} : memref<4096xi32, #tpu.memory_space<vmem>>, vector<16xi32>,
          %add3A_240 = arith.addi %add3A_231, %get3A_239 : vector<16xi32>
          %mul3A_241 = arith.constant 16 : i32
          %mul3A_242 = arith.muli %sub3A_106, %mul3A_241 : i32
          %add3A_243 = arith.constant 15 : i32
          %add3A_244 = arith.addi %mul3A_242, %add3A_243 : i32
          %mul3A_245 = arith.constant 16 : i32
          %mul3A_246 = arith.muli %add3A_244, %mul3A_245 : i32
          %get3A_247 = arith.index_cast %mul3A_246 : i32 to index
          %get3A_248 = tpu.vector_load %arg5[%get3A_247] {strides = array<i32>} : memref<4096xi32, #tpu.memory_space<vmem>>, vector<16xi32>,
          %add3A_249 = arith.addi %add3A_240, %get3A_248 : vector<16xi32>
          %reduce_sum3A = arith.constant true
          %reduce_sum3A_250 = vector.broadcast %reduce_sum3A : i1 to vector<16xi1>
          %reduce_sum3A_251 = tpu.scan <sum>, %add3A_249 masked %reduce_sum3A_250 : vector<16xi32>, vector<16xi1> -> vector<16xi32>
          %reduce_sum3A_252 = vector.extract %reduce_sum3A_251[15] : i32 from vector<16xi32>
          %add3A_253 = arith.addi %scan3A_104, %reduce_sum3A_252 : i32
          %eq3A_254 = arith.constant 0 : i32
          %eq3A_255 = arith.cmpi eq, %scan3A_101, %eq3A_254 : i32
          %ge3A = arith.constant 31 : i32
          %ge3A_256 = arith.cmpi sge, %add3A_253, %ge3A : i32
          %and3A_257 = arith.andi %eq3A_255, %ge3A_256 : i1
          %jit3A_258 = arith.constant 1 : i32
          %select_n3A_259 = arith.select %and3A_257, %jit3A_258, %scan3A_101 : i32
          %select_n3A_260 = arith.select %and3A_257, %sub3A_106, %scan3A_102 : i32
          %select_n3A_261 = arith.select %and3A_257, %scan3A_104, %scan3A_103 : i32
          scf.yield %select_n3A_259, %select_n3A_260, %select_n3A_261, %add3A_253 : i32, i32, i32, i32
        }
        %scan3A_51 = arith.constant 16 : i32
        %scan3A_52 = arith.constant 0 : i32
        %scan3A_53 = arith.constant 0 : i32
        %scan3A_54 = arith.constant 0 : i32
        %scan3A_55 = arith.constant 0 : i32
        %scan3A_56 = arith.constant 16 : i32
        %scan3A_57 = arith.addi %scan3A_55, %scan3A_56 : i32
        %scan3A_58 = arith.constant 1 : i32
        %scan3A_59:4 = scf.for %scan3A_100 = %scan3A_55 to %scan3A_57 step %scan3A_58 iter_args(%scan3A_101 = %scan3A_52, %scan3A_102 = %scan3A_53, %scan3A_103 = %scan3A_54, %scan3A_104 = %scan3A_50#2) -> (i32, i32, i32, i32)  : i32 {
          %mul3A_105 = arith.constant 16 : i32
          %mul3A_106 = arith.muli %scan3A_50#1, %mul3A_105 : i32
          %sub3A_107 = arith.constant 15 : i32
          %sub3A_108 = arith.subi %sub3A_107, %scan3A_100 : i32
          %add3A_109 = arith.addi %mul3A_106, %sub3A_108 : i32
          %mul3A_110 = arith.constant 16 : i32
          %mul3A_111 = arith.muli %add3A_109, %mul3A_110 : i32
          %get3A = arith.index_cast %mul3A_111 : i32 to index
          %get3A_112 = tpu.vector_load %arg5[%get3A] {strides = array<i32>} : memref<4096xi32, #tpu.memory_space<vmem>>, vector<16xi32>,
          %reduce_sum3A = arith.constant true
          %reduce_sum3A_113 = vector.broadcast %reduce_sum3A : i1 to vector<16xi1>
          %reduce_sum3A_114 = tpu.scan <sum>, %get3A_112 masked %reduce_sum3A_113 : vector<16xi32>, vector<16xi1> -> vector<16xi32>
          %reduce_sum3A_115 = vector.extract %reduce_sum3A_114[15] : i32 from vector<16xi32>
          %add3A_116 = arith.addi %scan3A_104, %reduce_sum3A_115 : i32
          %eq3A_117 = arith.constant 0 : i32
          %eq3A_118 = arith.cmpi eq, %scan3A_101, %eq3A_117 : i32
          %ge3A = arith.constant 31 : i32
          %ge3A_119 = arith.cmpi sge, %add3A_116, %ge3A : i32
          %and3A_120 = arith.andi %eq3A_118, %ge3A_119 : i1
          %jit3A_121 = arith.constant 1 : i32
          %select_n3A_122 = arith.select %and3A_120, %jit3A_121, %scan3A_101 : i32
          %select_n3A_123 = arith.select %and3A_120, %add3A_109, %scan3A_102 : i32
          %select_n3A_124 = arith.select %and3A_120, %scan3A_104, %scan3A_103 : i32
          scf.yield %select_n3A_122, %select_n3A_123, %select_n3A_124, %add3A_116 : i32, i32, i32, i32
        }
        %scan3A_60 = arith.constant 16 : i32
        %scan3A_61 = arith.constant 0 : i32
        %scan3A_62 = arith.constant 0 : i32
        %scan3A_63 = arith.constant 32 : i32
        %scan3A_64 = arith.addi %scan3A_62, %scan3A_63 : i32
        %scan3A_65 = arith.constant 1 : i32
        %scan3A_66 = scf.for %scan3A_100 = %scan3A_62 to %scan3A_64 step %scan3A_65 iter_args(%scan3A_101 = %scan3A_61) -> (i32)  : i32 {
          %mul3A_102 = arith.constant 8 : i32
          %mul3A_103 = arith.muli %scan3A_100, %mul3A_102 : i32
          %add3A_104 = arith.constant 0 : i32
          %add3A_105 = arith.addi %mul3A_103, %add3A_104 : i32
          %mul3A_106 = arith.constant 16 : i32
          %mul3A_107 = arith.muli %add3A_105, %mul3A_106 : i32
          %get3A = arith.index_cast %scan3A_26 : i32 to index
          %get3A_108 = arith.index_cast %mul3A_107 : i32 to index
          %get3A_109 = tpu.vector_load %arg4[%get3A, %get3A_108] {strides = array<i32>} : memref<8x4096xf32, #tpu.memory_space<vmem>>, vector<16xf32>,
          %mul3A_110 = vector.broadcast %scan3A : f32 to vector<16xf32>
          %mul3A_111 = arith.mulf %get3A_109, %mul3A_110 : vector<16xf32>
          %add3A_112 = vector.broadcast %scan3A : f32 to vector<16xf32>
          %add3A_113 = arith.addf %mul3A_111, %add3A_112 : vector<16xf32>
          %convert_element_type3A = arith.fptosi %add3A_113 : vector<16xf32> to vector<16xi32>
          %jit3A_114 = arith.constant 0 : i32
          %jit3A_115 = arith.constant 255 : i32
          %max3A = vector.broadcast %jit3A_114 : i32 to vector<16xi32>
          %max3A_116 = arith.maxsi %max3A, %convert_element_type3A : vector<16xi32>
          %min3A = vector.broadcast %jit3A_115 : i32 to vector<16xi32>
          %min3A_117 = arith.minsi %min3A, %max3A_116 : vector<16xi32>
          %eq3A_118 = vector.broadcast %scan3A_59#1 : i32 to vector<16xi32>
          %eq3A_119 = arith.cmpi eq, %min3A_117, %eq3A_118 : vector<16xi32>
          %jit3A_120 = arith.constant 1 : i32
          %jit3A_121 = arith.constant 0 : i32
          %broadcast_in_dim3A_122 = vector.broadcast %jit3A_120 : i32 to vector<16xi32>
          %broadcast_in_dim3A_123 = vector.broadcast %jit3A_121 : i32 to vector<16xi32>
          %select_n3A_124 = arith.select %eq3A_119, %broadcast_in_dim3A_122, %broadcast_in_dim3A_123 : vector<16xi1>, vector<16xi32>
          %broadcast_in_dim3A_125 = arith.constant true
          %broadcast_in_dim3A_126 = vector.broadcast %broadcast_in_dim3A_125 : i1 to vector<16xi1>
          %masked_cumsum3A = tpu.scan <sum>, %select_n3A_124 masked %broadcast_in_dim3A_126 : vector<16xi32>, vector<16xi1> -> vector<16xi32>
          %add3A_127 = vector.broadcast %scan3A_101 : i32 to vector<16xi32>
          %add3A_128 = arith.addi %add3A_127, %masked_cumsum3A : vector<16xi32>
          %sub3A_129 = arith.constant 1 : i32
          %sub3A_130 = vector.broadcast %sub3A_129 : i32 to vector<16xi32>
          %sub3A_131 = arith.subi %add3A_128, %sub3A_130 : vector<16xi32>
          %max3A_132 = arith.constant 0 : i32
          %max3A_133 = vector.broadcast %max3A_132 : i32 to vector<16xi32>
          %max3A_134 = arith.maxsi %sub3A_131, %max3A_133 : vector<16xi32>
          tpu.vector_store_idx %arg6[%max3A_134], %get3A_109 masked %eq3A_119 : memref<4096xf32, #tpu.memory_space<vmem>>[vector<16xi32>], vector<16xf32>, vector<16xi1>
          %reduce_sum3A = arith.constant true
          %reduce_sum3A_135 = vector.broadcast %reduce_sum3A : i1 to vector<16xi1>
          %reduce_sum3A_136 = tpu.scan <sum>, %select_n3A_124 masked %reduce_sum3A_135 : vector<16xi32>, vector<16xi1> -> vector<16xi32>
          %reduce_sum3A_137 = vector.extract %reduce_sum3A_136[15] : i32 from vector<16xi32>
          %add3A_138 = arith.addi %scan3A_101, %reduce_sum3A_137 : i32
          %mul3A_139 = arith.constant 8 : i32
          %mul3A_140 = arith.muli %scan3A_100, %mul3A_139 : i32
          %add3A_141 = arith.constant 1 : i32
          %add3A_142 = arith.addi %mul3A_140, %add3A_141 : i32
          %mul3A_143 = arith.constant 16 : i32
          %mul3A_144 = arith.muli %add3A_142, %mul3A_143 : i32
          %get3A_145 = arith.index_cast %scan3A_26 : i32 to index
          %get3A_146 = arith.index_cast %mul3A_144 : i32 to index
          %get3A_147 = tpu.vector_load %arg4[%get3A_145, %get3A_146] {strides = array<i32>} : memref<8x4096xf32, #tpu.memory_space<vmem>>, vector<16xf32>,
          %mul3A_148 = vector.broadcast %scan3A : f32 to vector<16xf32>
          %mul3A_149 = arith.mulf %get3A_147, %mul3A_148 : vector<16xf32>
          %add3A_150 = vector.broadcast %scan3A : f32 to vector<16xf32>
          %add3A_151 = arith.addf %mul3A_149, %add3A_150 : vector<16xf32>
          %convert_element_type3A_152 = arith.fptosi %add3A_151 : vector<16xf32> to vector<16xi32>
          %jit3A_153 = arith.constant 0 : i32
          %jit3A_154 = arith.constant 255 : i32
          %max3A_155 = vector.broadcast %jit3A_153 : i32 to vector<16xi32>
          %max3A_156 = arith.maxsi %max3A_155, %convert_element_type3A_152 : vector<16xi32>
          %min3A_157 = vector.broadcast %jit3A_154 : i32 to vector<16xi32>
          %min3A_158 = arith.minsi %min3A_157, %max3A_156 : vector<16xi32>
          %eq3A_159 = vector.broadcast %scan3A_59#1 : i32 to vector<16xi32>
          %eq3A_160 = arith.cmpi eq, %min3A_158, %eq3A_159 : vector<16xi32>
          %jit3A_161 = arith.constant 1 : i32
          %jit3A_162 = arith.constant 0 : i32
          %broadcast_in_dim3A_163 = vector.broadcast %jit3A_161 : i32 to vector<16xi32>
          %broadcast_in_dim3A_164 = vector.broadcast %jit3A_162 : i32 to vector<16xi32>
          %select_n3A_165 = arith.select %eq3A_160, %broadcast_in_dim3A_163, %broadcast_in_dim3A_164 : vector<16xi1>, vector<16xi32>
          %broadcast_in_dim3A_166 = arith.constant true
          %broadcast_in_dim3A_167 = vector.broadcast %broadcast_in_dim3A_166 : i1 to vector<16xi1>
          %masked_cumsum3A_168 = tpu.scan <sum>, %select_n3A_165 masked %broadcast_in_dim3A_167 : vector<16xi32>, vector<16xi1> -> vector<16xi32>
          %add3A_169 = vector.broadcast %add3A_138 : i32 to vector<16xi32>
          %add3A_170 = arith.addi %add3A_169, %masked_cumsum3A_168 : vector<16xi32>
          %sub3A_171 = arith.constant 1 : i32
          %sub3A_172 = vector.broadcast %sub3A_171 : i32 to vector<16xi32>
          %sub3A_173 = arith.subi %add3A_170, %sub3A_172 : vector<16xi32>
          %max3A_174 = arith.constant 0 : i32
          %max3A_175 = vector.broadcast %max3A_174 : i32 to vector<16xi32>
          %max3A_176 = arith.maxsi %sub3A_173, %max3A_175 : vector<16xi32>
          tpu.vector_store_idx %arg6[%max3A_176], %get3A_147 masked %eq3A_160 : memref<4096xf32, #tpu.memory_space<vmem>>[vector<16xi32>], vector<16xf32>, vector<16xi1>
          %reduce_sum3A_177 = arith.constant true
          %reduce_sum3A_178 = vector.broadcast %reduce_sum3A_177 : i1 to vector<16xi1>
          %reduce_sum3A_179 = tpu.scan <sum>, %select_n3A_165 masked %reduce_sum3A_178 : vector<16xi32>, vector<16xi1> -> vector<16xi32>
          %reduce_sum3A_180 = vector.extract %reduce_sum3A_179[15] : i32 from vector<16xi32>
          %add3A_181 = arith.addi %add3A_138, %reduce_sum3A_180 : i32
          %mul3A_182 = arith.constant 8 : i32
          %mul3A_183 = arith.muli %scan3A_100, %mul3A_182 : i32
          %add3A_184 = arith.constant 2 : i32
          %add3A_185 = arith.addi %mul3A_183, %add3A_184 : i32
          %mul3A_186 = arith.constant 16 : i32
          %mul3A_187 = arith.muli %add3A_185, %mul3A_186 : i32
          %get3A_188 = arith.index_cast %scan3A_26 : i32 to index
          %get3A_189 = arith.index_cast %mul3A_187 : i32 to index
          %get3A_190 = tpu.vector_load %arg4[%get3A_188, %get3A_189] {strides = array<i32>} : memref<8x4096xf32, #tpu.memory_space<vmem>>, vector<16xf32>,
          %mul3A_191 = vector.broadcast %scan3A : f32 to vector<16xf32>
          %mul3A_192 = arith.mulf %get3A_190, %mul3A_191 : vector<16xf32>
          %add3A_193 = vector.broadcast %scan3A : f32 to vector<16xf32>
          %add3A_194 = arith.addf %mul3A_192, %add3A_193 : vector<16xf32>
          %convert_element_type3A_195 = arith.fptosi %add3A_194 : vector<16xf32> to vector<16xi32>
          %jit3A_196 = arith.constant 0 : i32
          %jit3A_197 = arith.constant 255 : i32
          %max3A_198 = vector.broadcast %jit3A_196 : i32 to vector<16xi32>
          %max3A_199 = arith.maxsi %max3A_198, %convert_element_type3A_195 : vector<16xi32>
          %min3A_200 = vector.broadcast %jit3A_197 : i32 to vector<16xi32>
          %min3A_201 = arith.minsi %min3A_200, %max3A_199 : vector<16xi32>
          %eq3A_202 = vector.broadcast %scan3A_59#1 : i32 to vector<16xi32>
          %eq3A_203 = arith.cmpi eq, %min3A_201, %eq3A_202 : vector<16xi32>
          %jit3A_204 = arith.constant 1 : i32
          %jit3A_205 = arith.constant 0 : i32
          %broadcast_in_dim3A_206 = vector.broadcast %jit3A_204 : i32 to vector<16xi32>
          %broadcast_in_dim3A_207 = vector.broadcast %jit3A_205 : i32 to vector<16xi32>
          %select_n3A_208 = arith.select %eq3A_203, %broadcast_in_dim3A_206, %broadcast_in_dim3A_207 : vector<16xi1>, vector<16xi32>
          %broadcast_in_dim3A_209 = arith.constant true
          %broadcast_in_dim3A_210 = vector.broadcast %broadcast_in_dim3A_209 : i1 to vector<16xi1>
          %masked_cumsum3A_211 = tpu.scan <sum>, %select_n3A_208 masked %broadcast_in_dim3A_210 : vector<16xi32>, vector<16xi1> -> vector<16xi32>
          %add3A_212 = vector.broadcast %add3A_181 : i32 to vector<16xi32>
          %add3A_213 = arith.addi %add3A_212, %masked_cumsum3A_211 : vector<16xi32>
          %sub3A_214 = arith.constant 1 : i32
          %sub3A_215 = vector.broadcast %sub3A_214 : i32 to vector<16xi32>
          %sub3A_216 = arith.subi %add3A_213, %sub3A_215 : vector<16xi32>
          %max3A_217 = arith.constant 0 : i32
          %max3A_218 = vector.broadcast %max3A_217 : i32 to vector<16xi32>
          %max3A_219 = arith.maxsi %sub3A_216, %max3A_218 : vector<16xi32>
          tpu.vector_store_idx %arg6[%max3A_219], %get3A_190 masked %eq3A_203 : memref<4096xf32, #tpu.memory_space<vmem>>[vector<16xi32>], vector<16xf32>, vector<16xi1>
          %reduce_sum3A_220 = arith.constant true
          %reduce_sum3A_221 = vector.broadcast %reduce_sum3A_220 : i1 to vector<16xi1>
          %reduce_sum3A_222 = tpu.scan <sum>, %select_n3A_208 masked %reduce_sum3A_221 : vector<16xi32>, vector<16xi1> -> vector<16xi32>
          %reduce_sum3A_223 = vector.extract %reduce_sum3A_222[15] : i32 from vector<16xi32>
          %add3A_224 = arith.addi %add3A_181, %reduce_sum3A_223 : i32
          %mul3A_225 = arith.constant 8 : i32
          %mul3A_226 = arith.muli %scan3A_100, %mul3A_225 : i32
          %add3A_227 = arith.constant 3 : i32
          %add3A_228 = arith.addi %mul3A_226, %add3A_227 : i32
          %mul3A_229 = arith.constant 16 : i32
          %mul3A_230 = arith.muli %add3A_228, %mul3A_229 : i32
          %get3A_231 = arith.index_cast %scan3A_26 : i32 to index
          %get3A_232 = arith.index_cast %mul3A_230 : i32 to index
          %get3A_233 = tpu.vector_load %arg4[%get3A_231, %get3A_232] {strides = array<i32>} : memref<8x4096xf32, #tpu.memory_space<vmem>>, vector<16xf32>,
          %mul3A_234 = vector.broadcast %scan3A : f32 to vector<16xf32>
          %mul3A_235 = arith.mulf %get3A_233, %mul3A_234 : vector<16xf32>
          %add3A_236 = vector.broadcast %scan3A : f32 to vector<16xf32>
          %add3A_237 = arith.addf %mul3A_235, %add3A_236 : vector<16xf32>
          %convert_element_type3A_238 = arith.fptosi %add3A_237 : vector<16xf32> to vector<16xi32>
          %jit3A_239 = arith.constant 0 : i32
          %jit3A_240 = arith.constant 255 : i32
          %max3A_241 = vector.broadcast %jit3A_239 : i32 to vector<16xi32>
          %max3A_242 = arith.maxsi %max3A_241, %convert_element_type3A_238 : vector<16xi32>
          %min3A_243 = vector.broadcast %jit3A_240 : i32 to vector<16xi32>
          %min3A_244 = arith.minsi %min3A_243, %max3A_242 : vector<16xi32>
          %eq3A_245 = vector.broadcast %scan3A_59#1 : i32 to vector<16xi32>
          %eq3A_246 = arith.cmpi eq, %min3A_244, %eq3A_245 : vector<16xi32>
          %jit3A_247 = arith.constant 1 : i32
          %jit3A_248 = arith.constant 0 : i32
          %broadcast_in_dim3A_249 = vector.broadcast %jit3A_247 : i32 to vector<16xi32>
          %broadcast_in_dim3A_250 = vector.broadcast %jit3A_248 : i32 to vector<16xi32>
          %select_n3A_251 = arith.select %eq3A_246, %broadcast_in_dim3A_249, %broadcast_in_dim3A_250 : vector<16xi1>, vector<16xi32>
          %broadcast_in_dim3A_252 = arith.constant true
          %broadcast_in_dim3A_253 = vector.broadcast %broadcast_in_dim3A_252 : i1 to vector<16xi1>
          %masked_cumsum3A_254 = tpu.scan <sum>, %select_n3A_251 masked %broadcast_in_dim3A_253 : vector<16xi32>, vector<16xi1> -> vector<16xi32>
          %add3A_255 = vector.broadcast %add3A_224 : i32 to vector<16xi32>
          %add3A_256 = arith.addi %add3A_255, %masked_cumsum3A_254 : vector<16xi32>
          %sub3A_257 = arith.constant 1 : i32
          %sub3A_258 = vector.broadcast %sub3A_257 : i32 to vector<16xi32>
          %sub3A_259 = arith.subi %add3A_256, %sub3A_258 : vector<16xi32>
          %max3A_260 = arith.constant 0 : i32
          %max3A_261 = vector.broadcast %max3A_260 : i32 to vector<16xi32>
          %max3A_262 = arith.maxsi %sub3A_259, %max3A_261 : vector<16xi32>
          tpu.vector_store_idx %arg6[%max3A_262], %get3A_233 masked %eq3A_246 : memref<4096xf32, #tpu.memory_space<vmem>>[vector<16xi32>], vector<16xf32>, vector<16xi1>
          %reduce_sum3A_263 = arith.constant true
          %reduce_sum3A_264 = vector.broadcast %reduce_sum3A_263 : i1 to vector<16xi1>
          %reduce_sum3A_265 = tpu.scan <sum>, %select_n3A_251 masked %reduce_sum3A_264 : vector<16xi32>, vector<16xi1> -> vector<16xi32>
          %reduce_sum3A_266 = vector.extract %reduce_sum3A_265[15] : i32 from vector<16xi32>
          %add3A_267 = arith.addi %add3A_224, %reduce_sum3A_266 : i32
          %mul3A_268 = arith.constant 8 : i32
          %mul3A_269 = arith.muli %scan3A_100, %mul3A_268 : i32
          %add3A_270 = arith.constant 4 : i32
          %add3A_271 = arith.addi %mul3A_269, %add3A_270 : i32
          %mul3A_272 = arith.constant 16 : i32
          %mul3A_273 = arith.muli %add3A_271, %mul3A_272 : i32
          %get3A_274 = arith.index_cast %scan3A_26 : i32 to index
          %get3A_275 = arith.index_cast %mul3A_273 : i32 to index
          %get3A_276 = tpu.vector_load %arg4[%get3A_274, %get3A_275] {strides = array<i32>} : memref<8x4096xf32, #tpu.memory_space<vmem>>, vector<16xf32>,
          %mul3A_277 = vector.broadcast %scan3A : f32 to vector<16xf32>
          %mul3A_278 = arith.mulf %get3A_276, %mul3A_277 : vector<16xf32>
          %add3A_279 = vector.broadcast %scan3A : f32 to vector<16xf32>
          %add3A_280 = arith.addf %mul3A_278, %add3A_279 : vector<16xf32>
          %convert_element_type3A_281 = arith.fptosi %add3A_280 : vector<16xf32> to vector<16xi32>
          %jit3A_282 = arith.constant 0 : i32
          %jit3A_283 = arith.constant 255 : i32
          %max3A_284 = vector.broadcast %jit3A_282 : i32 to vector<16xi32>
          %max3A_285 = arith.maxsi %max3A_284, %convert_element_type3A_281 : vector<16xi32>
          %min3A_286 = vector.broadcast %jit3A_283 : i32 to vector<16xi32>
          %min3A_287 = arith.minsi %min3A_286, %max3A_285 : vector<16xi32>
          %eq3A_288 = vector.broadcast %scan3A_59#1 : i32 to vector<16xi32>
          %eq3A_289 = arith.cmpi eq, %min3A_287, %eq3A_288 : vector<16xi32>
          %jit3A_290 = arith.constant 1 : i32
          %jit3A_291 = arith.constant 0 : i32
          %broadcast_in_dim3A_292 = vector.broadcast %jit3A_290 : i32 to vector<16xi32>
          %broadcast_in_dim3A_293 = vector.broadcast %jit3A_291 : i32 to vector<16xi32>
          %select_n3A_294 = arith.select %eq3A_289, %broadcast_in_dim3A_292, %broadcast_in_dim3A_293 : vector<16xi1>, vector<16xi32>
          %broadcast_in_dim3A_295 = arith.constant true
          %broadcast_in_dim3A_296 = vector.broadcast %broadcast_in_dim3A_295 : i1 to vector<16xi1>
          %masked_cumsum3A_297 = tpu.scan <sum>, %select_n3A_294 masked %broadcast_in_dim3A_296 : vector<16xi32>, vector<16xi1> -> vector<16xi32>
          %add3A_298 = vector.broadcast %add3A_267 : i32 to vector<16xi32>
          %add3A_299 = arith.addi %add3A_298, %masked_cumsum3A_297 : vector<16xi32>
          %sub3A_300 = arith.constant 1 : i32
          %sub3A_301 = vector.broadcast %sub3A_300 : i32 to vector<16xi32>
          %sub3A_302 = arith.subi %add3A_299, %sub3A_301 : vector<16xi32>
          %max3A_303 = arith.constant 0 : i32
          %max3A_304 = vector.broadcast %max3A_303 : i32 to vector<16xi32>
          %max3A_305 = arith.maxsi %sub3A_302, %max3A_304 : vector<16xi32>
          tpu.vector_store_idx %arg6[%max3A_305], %get3A_276 masked %eq3A_289 : memref<4096xf32, #tpu.memory_space<vmem>>[vector<16xi32>], vector<16xf32>, vector<16xi1>
          %reduce_sum3A_306 = arith.constant true
          %reduce_sum3A_307 = vector.broadcast %reduce_sum3A_306 : i1 to vector<16xi1>
          %reduce_sum3A_308 = tpu.scan <sum>, %select_n3A_294 masked %reduce_sum3A_307 : vector<16xi32>, vector<16xi1> -> vector<16xi32>
          %reduce_sum3A_309 = vector.extract %reduce_sum3A_308[15] : i32 from vector<16xi32>
          %add3A_310 = arith.addi %add3A_267, %reduce_sum3A_309 : i32
          %mul3A_311 = arith.constant 8 : i32
          %mul3A_312 = arith.muli %scan3A_100, %mul3A_311 : i32
          %add3A_313 = arith.constant 5 : i32
          %add3A_314 = arith.addi %mul3A_312, %add3A_313 : i32
          %mul3A_315 = arith.constant 16 : i32
          %mul3A_316 = arith.muli %add3A_314, %mul3A_315 : i32
          %get3A_317 = arith.index_cast %scan3A_26 : i32 to index
          %get3A_318 = arith.index_cast %mul3A_316 : i32 to index
          %get3A_319 = tpu.vector_load %arg4[%get3A_317, %get3A_318] {strides = array<i32>} : memref<8x4096xf32, #tpu.memory_space<vmem>>, vector<16xf32>,
          %mul3A_320 = vector.broadcast %scan3A : f32 to vector<16xf32>
          %mul3A_321 = arith.mulf %get3A_319, %mul3A_320 : vector<16xf32>
          %add3A_322 = vector.broadcast %scan3A : f32 to vector<16xf32>
          %add3A_323 = arith.addf %mul3A_321, %add3A_322 : vector<16xf32>
          %convert_element_type3A_324 = arith.fptosi %add3A_323 : vector<16xf32> to vector<16xi32>
          %jit3A_325 = arith.constant 0 : i32
          %jit3A_326 = arith.constant 255 : i32
          %max3A_327 = vector.broadcast %jit3A_325 : i32 to vector<16xi32>
          %max3A_328 = arith.maxsi %max3A_327, %convert_element_type3A_324 : vector<16xi32>
          %min3A_329 = vector.broadcast %jit3A_326 : i32 to vector<16xi32>
          %min3A_330 = arith.minsi %min3A_329, %max3A_328 : vector<16xi32>
          %eq3A_331 = vector.broadcast %scan3A_59#1 : i32 to vector<16xi32>
          %eq3A_332 = arith.cmpi eq, %min3A_330, %eq3A_331 : vector<16xi32>
          %jit3A_333 = arith.constant 1 : i32
          %jit3A_334 = arith.constant 0 : i32
          %broadcast_in_dim3A_335 = vector.broadcast %jit3A_333 : i32 to vector<16xi32>
          %broadcast_in_dim3A_336 = vector.broadcast %jit3A_334 : i32 to vector<16xi32>
          %select_n3A_337 = arith.select %eq3A_332, %broadcast_in_dim3A_335, %broadcast_in_dim3A_336 : vector<16xi1>, vector<16xi32>
          %broadcast_in_dim3A_338 = arith.constant true
          %broadcast_in_dim3A_339 = vector.broadcast %broadcast_in_dim3A_338 : i1 to vector<16xi1>
          %masked_cumsum3A_340 = tpu.scan <sum>, %select_n3A_337 masked %broadcast_in_dim3A_339 : vector<16xi32>, vector<16xi1> -> vector<16xi32>
          %add3A_341 = vector.broadcast %add3A_310 : i32 to vector<16xi32>
          %add3A_342 = arith.addi %add3A_341, %masked_cumsum3A_340 : vector<16xi32>
          %sub3A_343 = arith.constant 1 : i32
          %sub3A_344 = vector.broadcast %sub3A_343 : i32 to vector<16xi32>
          %sub3A_345 = arith.subi %add3A_342, %sub3A_344 : vector<16xi32>
          %max3A_346 = arith.constant 0 : i32
          %max3A_347 = vector.broadcast %max3A_346 : i32 to vector<16xi32>
          %max3A_348 = arith.maxsi %sub3A_345, %max3A_347 : vector<16xi32>
          tpu.vector_store_idx %arg6[%max3A_348], %get3A_319 masked %eq3A_332 : memref<4096xf32, #tpu.memory_space<vmem>>[vector<16xi32>], vector<16xf32>, vector<16xi1>
          %reduce_sum3A_349 = arith.constant true
          %reduce_sum3A_350 = vector.broadcast %reduce_sum3A_349 : i1 to vector<16xi1>
          %reduce_sum3A_351 = tpu.scan <sum>, %select_n3A_337 masked %reduce_sum3A_350 : vector<16xi32>, vector<16xi1> -> vector<16xi32>
          %reduce_sum3A_352 = vector.extract %reduce_sum3A_351[15] : i32 from vector<16xi32>
          %add3A_353 = arith.addi %add3A_310, %reduce_sum3A_352 : i32
          %mul3A_354 = arith.constant 8 : i32
          %mul3A_355 = arith.muli %scan3A_100, %mul3A_354 : i32
          %add3A_356 = arith.constant 6 : i32
          %add3A_357 = arith.addi %mul3A_355, %add3A_356 : i32
          %mul3A_358 = arith.constant 16 : i32
          %mul3A_359 = arith.muli %add3A_357, %mul3A_358 : i32
          %get3A_360 = arith.index_cast %scan3A_26 : i32 to index
          %get3A_361 = arith.index_cast %mul3A_359 : i32 to index
          %get3A_362 = tpu.vector_load %arg4[%get3A_360, %get3A_361] {strides = array<i32>} : memref<8x4096xf32, #tpu.memory_space<vmem>>, vector<16xf32>,
          %mul3A_363 = vector.broadcast %scan3A : f32 to vector<16xf32>
          %mul3A_364 = arith.mulf %get3A_362, %mul3A_363 : vector<16xf32>
          %add3A_365 = vector.broadcast %scan3A : f32 to vector<16xf32>
          %add3A_366 = arith.addf %mul3A_364, %add3A_365 : vector<16xf32>
          %convert_element_type3A_367 = arith.fptosi %add3A_366 : vector<16xf32> to vector<16xi32>
          %jit3A_368 = arith.constant 0 : i32
          %jit3A_369 = arith.constant 255 : i32
          %max3A_370 = vector.broadcast %jit3A_368 : i32 to vector<16xi32>
          %max3A_371 = arith.maxsi %max3A_370, %convert_element_type3A_367 : vector<16xi32>
          %min3A_372 = vector.broadcast %jit3A_369 : i32 to vector<16xi32>
          %min3A_373 = arith.minsi %min3A_372, %max3A_371 : vector<16xi32>
          %eq3A_374 = vector.broadcast %scan3A_59#1 : i32 to vector<16xi32>
          %eq3A_375 = arith.cmpi eq, %min3A_373, %eq3A_374 : vector<16xi32>
          %jit3A_376 = arith.constant 1 : i32
          %jit3A_377 = arith.constant 0 : i32
          %broadcast_in_dim3A_378 = vector.broadcast %jit3A_376 : i32 to vector<16xi32>
          %broadcast_in_dim3A_379 = vector.broadcast %jit3A_377 : i32 to vector<16xi32>
          %select_n3A_380 = arith.select %eq3A_375, %broadcast_in_dim3A_378, %broadcast_in_dim3A_379 : vector<16xi1>, vector<16xi32>
          %broadcast_in_dim3A_381 = arith.constant true
          %broadcast_in_dim3A_382 = vector.broadcast %broadcast_in_dim3A_381 : i1 to vector<16xi1>
          %masked_cumsum3A_383 = tpu.scan <sum>, %select_n3A_380 masked %broadcast_in_dim3A_382 : vector<16xi32>, vector<16xi1> -> vector<16xi32>
          %add3A_384 = vector.broadcast %add3A_353 : i32 to vector<16xi32>
          %add3A_385 = arith.addi %add3A_384, %masked_cumsum3A_383 : vector<16xi32>
          %sub3A_386 = arith.constant 1 : i32
          %sub3A_387 = vector.broadcast %sub3A_386 : i32 to vector<16xi32>
          %sub3A_388 = arith.subi %add3A_385, %sub3A_387 : vector<16xi32>
          %max3A_389 = arith.constant 0 : i32
          %max3A_390 = vector.broadcast %max3A_389 : i32 to vector<16xi32>
          %max3A_391 = arith.maxsi %sub3A_388, %max3A_390 : vector<16xi32>
          tpu.vector_store_idx %arg6[%max3A_391], %get3A_362 masked %eq3A_375 : memref<4096xf32, #tpu.memory_space<vmem>>[vector<16xi32>], vector<16xf32>, vector<16xi1>
          %reduce_sum3A_392 = arith.constant true
          %reduce_sum3A_393 = vector.broadcast %reduce_sum3A_392 : i1 to vector<16xi1>
          %reduce_sum3A_394 = tpu.scan <sum>, %select_n3A_380 masked %reduce_sum3A_393 : vector<16xi32>, vector<16xi1> -> vector<16xi32>
          %reduce_sum3A_395 = vector.extract %reduce_sum3A_394[15] : i32 from vector<16xi32>
          %add3A_396 = arith.addi %add3A_353, %reduce_sum3A_395 : i32
          %mul3A_397 = arith.constant 8 : i32
          %mul3A_398 = arith.muli %scan3A_100, %mul3A_397 : i32
          %add3A_399 = arith.constant 7 : i32
          %add3A_400 = arith.addi %mul3A_398, %add3A_399 : i32
          %mul3A_401 = arith.constant 16 : i32
          %mul3A_402 = arith.muli %add3A_400, %mul3A_401 : i32
          %get3A_403 = arith.index_cast %scan3A_26 : i32 to index
          %get3A_404 = arith.index_cast %mul3A_402 : i32 to index
          %get3A_405 = tpu.vector_load %arg4[%get3A_403, %get3A_404] {strides = array<i32>} : memref<8x4096xf32, #tpu.memory_space<vmem>>, vector<16xf32>,
          %mul3A_406 = vector.broadcast %scan3A : f32 to vector<16xf32>
          %mul3A_407 = arith.mulf %get3A_405, %mul3A_406 : vector<16xf32>
          %add3A_408 = vector.broadcast %scan3A : f32 to vector<16xf32>
          %add3A_409 = arith.addf %mul3A_407, %add3A_408 : vector<16xf32>
          %convert_element_type3A_410 = arith.fptosi %add3A_409 : vector<16xf32> to vector<16xi32>
          %jit3A_411 = arith.constant 0 : i32
          %jit3A_412 = arith.constant 255 : i32
          %max3A_413 = vector.broadcast %jit3A_411 : i32 to vector<16xi32>
          %max3A_414 = arith.maxsi %max3A_413, %convert_element_type3A_410 : vector<16xi32>
          %min3A_415 = vector.broadcast %jit3A_412 : i32 to vector<16xi32>
          %min3A_416 = arith.minsi %min3A_415, %max3A_414 : vector<16xi32>
          %eq3A_417 = vector.broadcast %scan3A_59#1 : i32 to vector<16xi32>
          %eq3A_418 = arith.cmpi eq, %min3A_416, %eq3A_417 : vector<16xi32>
          %jit3A_419 = arith.constant 1 : i32
          %jit3A_420 = arith.constant 0 : i32
          %broadcast_in_dim3A_421 = vector.broadcast %jit3A_419 : i32 to vector<16xi32>
          %broadcast_in_dim3A_422 = vector.broadcast %jit3A_420 : i32 to vector<16xi32>
          %select_n3A_423 = arith.select %eq3A_418, %broadcast_in_dim3A_421, %broadcast_in_dim3A_422 : vector<16xi1>, vector<16xi32>
          %broadcast_in_dim3A_424 = arith.constant true
          %broadcast_in_dim3A_425 = vector.broadcast %broadcast_in_dim3A_424 : i1 to vector<16xi1>
          %masked_cumsum3A_426 = tpu.scan <sum>, %select_n3A_423 masked %broadcast_in_dim3A_425 : vector<16xi32>, vector<16xi1> -> vector<16xi32>
          %add3A_427 = vector.broadcast %add3A_396 : i32 to vector<16xi32>
          %add3A_428 = arith.addi %add3A_427, %masked_cumsum3A_426 : vector<16xi32>
          %sub3A_429 = arith.constant 1 : i32
          %sub3A_430 = vector.broadcast %sub3A_429 : i32 to vector<16xi32>
          %sub3A_431 = arith.subi %add3A_428, %sub3A_430 : vector<16xi32>
          %max3A_432 = arith.constant 0 : i32
          %max3A_433 = vector.broadcast %max3A_432 : i32 to vector<16xi32>
          %max3A_434 = arith.maxsi %sub3A_431, %max3A_433 : vector<16xi32>
          tpu.vector_store_idx %arg6[%max3A_434], %get3A_405 masked %eq3A_418 : memref<4096xf32, #tpu.memory_space<vmem>>[vector<16xi32>], vector<16xf32>, vector<16xi1>
          %reduce_sum3A_435 = arith.constant true
          %reduce_sum3A_436 = vector.broadcast %reduce_sum3A_435 : i1 to vector<16xi1>
          %reduce_sum3A_437 = tpu.scan <sum>, %select_n3A_423 masked %reduce_sum3A_436 : vector<16xi32>, vector<16xi1> -> vector<16xi32>
          %reduce_sum3A_438 = vector.extract %reduce_sum3A_437[15] : i32 from vector<16xi32>
          %add3A_439 = arith.addi %add3A_396, %reduce_sum3A_438 : i32
          scf.yield %add3A_439 : i32
        }
        %scan3A_67 = arith.constant 32 : i32
        %sub3A = arith.constant 31 : i32
        %sub3A_68 = arith.subi %sub3A, %scan3A_59#2 : i32
        %add3A_69 = arith.constant 16 : i32
        %add3A_70 = arith.addi %scan3A_66, %add3A_69 : i32
        %sub3A_71 = arith.constant 1 : i32
        %sub3A_72 = arith.subi %add3A_70, %sub3A_71 : i32
        %jit3A = arith.constant 16 : i32
        %div3A = arith.divsi %sub3A_72, %jit3A : i32
        %sign3A = arith.constant 0 : i32
        %sign3A_73 = arith.cmpi sgt, %sub3A_72, %sign3A : i32
        %sign3A_74 = arith.extui %sign3A_73 : i1 to i32
        %sign3A_75 = arith.constant 0 : i32
        %sign3A_76 = arith.cmpi slt, %sub3A_72, %sign3A_75 : i32
        %sign3A_77 = arith.extui %sign3A_76 : i1 to i32
        %sign3A_78 = arith.subi %sign3A_74, %sign3A_77 : i32
        %sign3A_79 = arith.constant 0 : i32
        %sign3A_80 = arith.cmpi sgt, %jit3A, %sign3A_79 : i32
        %sign3A_81 = arith.extui %sign3A_80 : i1 to i32
        %sign3A_82 = arith.constant 0 : i32
        %sign3A_83 = arith.cmpi slt, %jit3A, %sign3A_82 : i32
        %sign3A_84 = arith.extui %sign3A_83 : i1 to i32
        %sign3A_85 = arith.subi %sign3A_81, %sign3A_84 : i32
        %ne3A = arith.cmpi ne, %sign3A_78, %sign3A_85 : i32
        %rem3A = arith.remsi %sub3A_72, %jit3A : i32
        %ne3A_86 = arith.constant 0 : i32
        %ne3A_87 = arith.cmpi ne, %rem3A, %ne3A_86 : i32
        %and3A = arith.andi %ne3A, %ne3A_87 : i1
        %sub3A_88 = arith.constant 1 : i32
        %sub3A_89 = arith.subi %div3A, %sub3A_88 : i32
        %select_n3A = arith.select %and3A, %sub3A_89, %div3A : i32
        %while3A = arith.constant 0 : i32
        %while3A_90 = arith.constant -2.000000e+00 : f32
        %while3A_91:2 = scf.while (%while3A_100 = %while3A, %while3A_101 = %while3A_90) : (i32, f32) -> (i32, f32) {
          %lt3A = arith.cmpi slt, %while3A_100, %sub3A_68 : i32
          scf.condition(%lt3A) %while3A_100, %while3A_101 : i32, f32
        } do {
        ^bb0(%while3A_100: i32, %while3A_101: f32):
          %broadcast_in_dim3A_102 = arith.constant -2.000000e+00 : f32
          %broadcast_in_dim3A_103 = vector.broadcast %broadcast_in_dim3A_102 : f32 to vector<16xf32>
          %while3A_104 = arith.constant 0 : i32
          %while3A_105 = arith.subi %select_n3A, %while3A_104 : i32
          %while3A_106 = arith.addi %while3A_104, %while3A_105 : i32
          %while3A_107 = arith.constant 1 : i32
          %while3A_108 = arith.divsi %while3A_105, %while3A_107 : i32
          %while3A_109 = arith.muli %while3A_108, %while3A_107 : i32
          %while3A_110 = arith.addi %while3A_104, %while3A_109 : i32
          %while3A_111 = arith.constant 1 : i32
          %while3A_112 = scf.for %while3A_132 = %while3A_104 to %while3A_110 step %while3A_111 iter_args(%while3A_133 = %broadcast_in_dim3A_103) -> (vector<16xf32>)  : i32 {
            %mul3A_134 = arith.constant 16 : i32
            %mul3A_135 = arith.muli %while3A_132, %mul3A_134 : i32
            %add3A_136 = vector.broadcast %mul3A_135 : i32 to vector<16xi32>
            %add3A_137 = arith.addi %add3A_136, %iota3A : vector<16xi32>
            %lt3A_138 = vector.broadcast %scan3A_66 : i32 to vector<16xi32>
            %lt3A_139 = arith.cmpi slt, %add3A_137, %lt3A_138 : vector<16xi32>
            %mul3A_140 = arith.constant 16 : i32
            %mul3A_141 = arith.muli %while3A_132, %mul3A_140 : i32
            %get3A = arith.index_cast %mul3A_141 : i32 to index
            %get3A_142 = tpu.vector_load %arg6[%get3A] {strides = array<i32>} : memref<4096xf32, #tpu.memory_space<vmem>>, vector<16xf32>,
            %jit3A_143 = arith.constant -2.000000e+00 : f32
            %broadcast_in_dim3A_144 = vector.broadcast %jit3A_143 : f32 to vector<16xf32>
            %select_n3A_145 = arith.select %lt3A_139, %get3A_142, %broadcast_in_dim3A_144 : vector<16xi1>, vector<16xf32>
            %max3A = arith.maximumf %while3A_133, %select_n3A_145 : vector<16xf32>
            scf.yield %max3A : vector<16xf32>
          }
          %while3A_113 = arith.constant 1 : i32
          %while3A_114 = scf.for %while3A_132 = %while3A_110 to %while3A_106 step %while3A_113 iter_args(%while3A_133 = %while3A_112) -> (vector<16xf32>)  : i32 {
            %mul3A_134 = arith.constant 16 : i32
            %mul3A_135 = arith.muli %while3A_132, %mul3A_134 : i32
            %add3A_136 = vector.broadcast %mul3A_135 : i32 to vector<16xi32>
            %add3A_137 = arith.addi %add3A_136, %iota3A : vector<16xi32>
            %lt3A_138 = vector.broadcast %scan3A_66 : i32 to vector<16xi32>
            %lt3A_139 = arith.cmpi slt, %add3A_137, %lt3A_138 : vector<16xi32>
            %mul3A_140 = arith.constant 16 : i32
            %mul3A_141 = arith.muli %while3A_132, %mul3A_140 : i32
            %get3A = arith.index_cast %mul3A_141 : i32 to index
            %get3A_142 = tpu.vector_load %arg6[%get3A] {strides = array<i32>} : memref<4096xf32, #tpu.memory_space<vmem>>, vector<16xf32>,
            %jit3A_143 = arith.constant -2.000000e+00 : f32
            %broadcast_in_dim3A_144 = vector.broadcast %jit3A_143 : f32 to vector<16xf32>
            %select_n3A_145 = arith.select %lt3A_139, %get3A_142, %broadcast_in_dim3A_144 : vector<16xi1>, vector<16xf32>
            %max3A = arith.maximumf %while3A_133, %select_n3A_145 : vector<16xf32>
            scf.yield %max3A : vector<16xf32>
          }
          %reduce_max3A = arith.constant true
          %reduce_max3A_115 = vector.broadcast %reduce_max3A : i1 to vector<16xi1>
          %reduce_max3A_116 = tpu.scan <max>, %while3A_114 masked %reduce_max3A_115 : vector<16xf32>, vector<16xi1> -> vector<16xf32>
          %reduce_max3A_117 = vector.extract %reduce_max3A_116[15] : f32 from vector<16xf32>
          %while3A_118 = arith.constant 0 : i32
          %while3A_119 = arith.constant 0 : i32
          %while3A_120 = arith.subi %select_n3A, %while3A_118 : i32
          %while3A_121 = arith.addi %while3A_118, %while3A_120 : i32
          %while3A_122 = arith.constant 1 : i32
          %while3A_123 = arith.divsi %while3A_120, %while3A_122 : i32
          %while3A_124 = arith.muli %while3A_123, %while3A_122 : i32
          %while3A_125 = arith.addi %while3A_118, %while3A_124 : i32
          %while3A_126 = arith.constant 1 : i32
          %while3A_127 = scf.for %while3A_132 = %while3A_118 to %while3A_125 step %while3A_126 iter_args(%while3A_133 = %while3A_119) -> (i32)  : i32 {
            %mul3A_134 = arith.constant 16 : i32
            %mul3A_135 = arith.muli %while3A_132, %mul3A_134 : i32
            %add3A_136 = vector.broadcast %mul3A_135 : i32 to vector<16xi32>
            %add3A_137 = arith.addi %add3A_136, %iota3A : vector<16xi32>
            %lt3A_138 = vector.broadcast %scan3A_66 : i32 to vector<16xi32>
            %lt3A_139 = arith.cmpi slt, %add3A_137, %lt3A_138 : vector<16xi32>
            %mul3A_140 = arith.constant 16 : i32
            %mul3A_141 = arith.muli %while3A_132, %mul3A_140 : i32
            %get3A = arith.index_cast %mul3A_141 : i32 to index
            %get3A_142 = tpu.vector_load %arg6[%get3A] {strides = array<i32>} : memref<4096xf32, #tpu.memory_space<vmem>>, vector<16xf32>,
            %eq3A_143 = vector.broadcast %reduce_max3A_117 : f32 to vector<16xf32>
            %eq3A_144 = arith.cmpf oeq, %get3A_142, %eq3A_143 : vector<16xf32>
            %and3A_145 = arith.andi %lt3A_139, %eq3A_144 : vector<16xi1>
            %broadcast_in_dim3A_146 = arith.constant -2.000000e+00 : f32
            %broadcast_in_dim3A_147 = vector.broadcast %broadcast_in_dim3A_146 : f32 to vector<16xf32>
            tpu.vector_store_idx %arg6[%add3A_137], %broadcast_in_dim3A_147 masked %and3A_145 : memref<4096xf32, #tpu.memory_space<vmem>>[vector<16xi32>], vector<16xf32>, vector<16xi1>
            %jit3A_148 = arith.constant 1 : i32
            %jit3A_149 = arith.constant 0 : i32
            %broadcast_in_dim3A_150 = vector.broadcast %jit3A_148 : i32 to vector<16xi32>
            %broadcast_in_dim3A_151 = vector.broadcast %jit3A_149 : i32 to vector<16xi32>
            %select_n3A_152 = arith.select %and3A_145, %broadcast_in_dim3A_150, %broadcast_in_dim3A_151 : vector<16xi1>, vector<16xi32>
            %reduce_sum3A = arith.constant true
            %reduce_sum3A_153 = vector.broadcast %reduce_sum3A : i1 to vector<16xi1>
            %reduce_sum3A_154 = tpu.scan <sum>, %select_n3A_152 masked %reduce_sum3A_153 : vector<16xi32>, vector<16xi1> -> vector<16xi32>
            %reduce_sum3A_155 = vector.extract %reduce_sum3A_154[15] : i32 from vector<16xi32>
            %add3A_156 = arith.addi %while3A_133, %reduce_sum3A_155 : i32
            scf.yield %add3A_156 : i32
          }
          %while3A_128 = arith.constant 1 : i32
          %while3A_129 = scf.for %while3A_132 = %while3A_125 to %while3A_121 step %while3A_128 iter_args(%while3A_133 = %while3A_127) -> (i32)  : i32 {
            %mul3A_134 = arith.constant 16 : i32
            %mul3A_135 = arith.muli %while3A_132, %mul3A_134 : i32
            %add3A_136 = vector.broadcast %mul3A_135 : i32 to vector<16xi32>
            %add3A_137 = arith.addi %add3A_136, %iota3A : vector<16xi32>
            %lt3A_138 = vector.broadcast %scan3A_66 : i32 to vector<16xi32>
            %lt3A_139 = arith.cmpi slt, %add3A_137, %lt3A_138 : vector<16xi32>
            %mul3A_140 = arith.constant 16 : i32
            %mul3A_141 = arith.muli %while3A_132, %mul3A_140 : i32
            %get3A = arith.index_cast %mul3A_141 : i32 to index
            %get3A_142 = tpu.vector_load %arg6[%get3A] {strides = array<i32>} : memref<4096xf32, #tpu.memory_space<vmem>>, vector<16xf32>,
            %eq3A_143 = vector.broadcast %reduce_max3A_117 : f32 to vector<16xf32>
            %eq3A_144 = arith.cmpf oeq, %get3A_142, %eq3A_143 : vector<16xf32>
            %and3A_145 = arith.andi %lt3A_139, %eq3A_144 : vector<16xi1>
            %broadcast_in_dim3A_146 = arith.constant -2.000000e+00 : f32
            %broadcast_in_dim3A_147 = vector.broadcast %broadcast_in_dim3A_146 : f32 to vector<16xf32>
            tpu.vector_store_idx %arg6[%add3A_137], %broadcast_in_dim3A_147 masked %and3A_145 : memref<4096xf32, #tpu.memory_space<vmem>>[vector<16xi32>], vector<16xf32>, vector<16xi1>
            %jit3A_148 = arith.constant 1 : i32
            %jit3A_149 = arith.constant 0 : i32
            %broadcast_in_dim3A_150 = vector.broadcast %jit3A_148 : i32 to vector<16xi32>
            %broadcast_in_dim3A_151 = vector.broadcast %jit3A_149 : i32 to vector<16xi32>
            %select_n3A_152 = arith.select %and3A_145, %broadcast_in_dim3A_150, %broadcast_in_dim3A_151 : vector<16xi1>, vector<16xi32>
            %reduce_sum3A = arith.constant true
            %reduce_sum3A_153 = vector.broadcast %reduce_sum3A : i1 to vector<16xi1>
            %reduce_sum3A_154 = tpu.scan <sum>, %select_n3A_152 masked %reduce_sum3A_153 : vector<16xi32>, vector<16xi1> -> vector<16xi32>
            %reduce_sum3A_155 = vector.extract %reduce_sum3A_154[15] : i32 from vector<16xi32>
            %add3A_156 = arith.addi %while3A_133, %reduce_sum3A_155 : i32
            scf.yield %add3A_156 : i32
          }
          %lt3A = arith.cmpi slt, %while3A_100, %sub3A_68 : i32
          %select_n3A_130 = arith.select %lt3A, %reduce_max3A_117, %while3A_101 : f32
          %add3A_131 = arith.addi %while3A_100, %while3A_129 : i32
          scf.yield %add3A_131, %select_n3A_130 : i32, f32
        }
        %mul3A_92 = arith.constant 8 : i32
        %mul3A_93 = arith.muli %scan3A_13, %mul3A_92 : i32
        %add3A_94 = arith.addi %mul3A_93, %scan3A_26 : i32
        %broadcast_in_dim3A_95 = vector.broadcast %add3A_94 : i32 to vector<16xi32>
        %broadcast_in_dim3A_96 = vector.broadcast %while3A_91#1 : f32 to vector<16xf32>
        %eq3A = arith.constant 0 : i32
        %eq3A_97 = vector.broadcast %eq3A : i32 to vector<16xi32>
        %eq3A_98 = arith.cmpi eq, %iota3A, %eq3A_97 : vector<16xi32>
        tpu.vector_store_idx %arg7[%broadcast_in_dim3A_95], %broadcast_in_dim3A_96 masked %eq3A_98 : memref<128xf32, #tpu.memory_space<vmem>>[vector<16xi32>], vector<16xf32>, vector<16xi1>
        %scan3A_99 = arith.constant 0 : i32
        scf.yield %scan3A_99 : i32
      }
      %scan3A_24 = arith.constant 8 : i32
      %scan3A_25 = arith.constant 0 : i32
      scf.yield %scan3A_25 : i32
    }
    %scan3A_12 = arith.constant 16 : i32
    "tpu.region"() ({
      %run_scoped3A = tpu.sem_alloc : memref<!tpu.dma_semaphore, #tpu.memory_space<semaphore_mem>>
      %dma_start3A = tpu.memref_slice %arg3[%mul3A_2] : memref<4096xf32, #tpu.memory_space<hbm>> -> memref<128xf32, #tpu.memory_space<hbm>>
      %dma_start3A_13 = tpu.memref_slice %arg3[%mul3A_2] : memref<4096xf32, #tpu.memory_space<hbm>> -> memref<128xf32, #tpu.memory_space<hbm>>
      tpu.enqueue_dma source(%arg7 : memref<128xf32, #tpu.memory_space<vmem>>) target(%dma_start3A_13 : memref<128xf32, #tpu.memory_space<hbm>>) target_semaphore(%run_scoped3A : memref<!tpu.dma_semaphore, #tpu.memory_space<semaphore_mem>>)
      %dma_wait3A = tpu.memref_slice %arg3[%mul3A_2] : memref<4096xf32, #tpu.memory_space<hbm>> -> memref<128xf32, #tpu.memory_space<hbm>>
      %dma_wait3A_14 = tpu.memref_slice %arg3[%mul3A_2] : memref<4096xf32, #tpu.memory_space<hbm>> -> memref<128xf32, #tpu.memory_space<hbm>>
      tpu.wait_dma2 semaphore(%run_scoped3A : memref<!tpu.dma_semaphore, #tpu.memory_space<semaphore_mem>>) src(%arg7 : memref<128xf32, #tpu.memory_space<vmem>>) dst(%dma_wait3A_14 : memref<128xf32, #tpu.memory_space<hbm>>)
      tpu.yield
    }) : () -> ()
    return
  }
}

module attributes {stable_mosaic.version = 14 : i64} {
  func.func @_k1_body(%arg0: i32, %arg1: memref<256x512xf32, #tpu.memory_space<vmem>>, %arg2: memref<256x512xf32, #tpu.memory_space<vmem>>, %arg3: memref<512x512xf32, #tpu.memory_space<vmem>>, %arg4: memref<1x512xf32, #tpu.memory_space<vmem>>, %arg5: memref<512x512xf32, #tpu.memory_space<vmem>>, %arg6: memref<1x512xf32, #tpu.memory_space<vmem>>, %arg7: memref<512x512xf32, #tpu.memory_space<vmem>>, %arg8: memref<256x512xf32, #tpu.memory_space<vmem>>, %arg9: memref<256x512xf32, #tpu.memory_space<vmem>>) attributes {dimension_semantics = [#tpu.dimension_semantics<arbitrary>], iteration_bounds = array<i64: 16>, scalar_prefetch = 0 : i64, scratch_operands = 0 : i64, tpu.core_type = #tpu.core_type<tc>, window_params = [{transform_indices = @transform_0, window_bounds = array<i64: 256, 512>}, {transform_indices = @transform_1, window_bounds = array<i64: 256, 512>}, {pipeline_mode = #tpu.pipeline_mode<synchronous>, transform_indices = @transform_2, window_bounds = array<i64: 512, 512>}, {pipeline_mode = #tpu.pipeline_mode<synchronous>, transform_indices = @transform_3, window_bounds = array<i64: 1, 512>}, {pipeline_mode = #tpu.pipeline_mode<synchronous>, transform_indices = @transform_4, window_bounds = array<i64: 512, 512>}, {pipeline_mode = #tpu.pipeline_mode<synchronous>, transform_indices = @transform_5, window_bounds = array<i64: 1, 512>}, {pipeline_mode = #tpu.pipeline_mode<synchronous>, transform_indices = @transform_6, window_bounds = array<i64: 512, 512>}, {transform_indices = @transform_7, window_bounds = array<i64: 256, 512>}, {transform_indices = @transform_8, window_bounds = array<i64: 256, 512>}]} {
    %get3A = arith.constant 0 : index
    %get3A_0 = arith.constant 0 : index
    %get3A_1 = vector.load %arg1[%get3A, %get3A_0] : memref<256x512xf32, #tpu.memory_space<vmem>>, vector<256x512xf32>
    %get3A_2 = arith.constant 0 : index
    %get3A_3 = arith.constant 0 : index
    %get3A_4 = vector.load %arg3[%get3A_2, %get3A_3] : memref<512x512xf32, #tpu.memory_space<vmem>>, vector<512x512xf32>
    %dot_general3A = arith.constant dense<0.000000e+00> : vector<256x512xf32>
    %dot_general3A_5 = tpu.matmul %get3A_1, %get3A_4, %dot_general3A {dimension_numbers = #tpu.dot_dimension_numbers<[1], [1], [0], [0], [0, 0, 1, 0], [], []>, transpose_lhs_hint = false} : vector<256x512xf32>, vector<512x512xf32>, vector<256x512xf32> -> vector<256x512xf32>
    %get3A_6 = arith.constant 0 : index
    %get3A_7 = arith.constant 0 : index
    %get3A_8 = vector.load %arg4[%get3A_6, %get3A_7] : memref<1x512xf32, #tpu.memory_space<vmem>>, vector<1x512xf32>
    %add3A = vector.broadcast %get3A_8 : vector<1x512xf32> to vector<256x512xf32>
    %add3A_9 = arith.addf %dot_general3A_5, %add3A : vector<256x512xf32>
    %max3A = arith.constant 0.000000e+00 : f32
    %max3A_10 = vector.broadcast %max3A : f32 to vector<256x512xf32>
    %max3A_11 = arith.maximumf %add3A_9, %max3A_10 : vector<256x512xf32>
    %get3A_12 = arith.constant 0 : index
    %get3A_13 = arith.constant 0 : index
    %get3A_14 = vector.load %arg5[%get3A_12, %get3A_13] : memref<512x512xf32, #tpu.memory_space<vmem>>, vector<512x512xf32>
    %dot_general3A_15 = arith.constant dense<0.000000e+00> : vector<256x512xf32>
    %dot_general3A_16 = tpu.matmul %max3A_11, %get3A_14, %dot_general3A_15 {dimension_numbers = #tpu.dot_dimension_numbers<[1], [1], [0], [0], [0, 0, 1, 0], [], []>, transpose_lhs_hint = false} : vector<256x512xf32>, vector<512x512xf32>, vector<256x512xf32> -> vector<256x512xf32>
    %get3A_17 = arith.constant 0 : index
    %get3A_18 = arith.constant 0 : index
    %get3A_19 = vector.load %arg6[%get3A_17, %get3A_18] : memref<1x512xf32, #tpu.memory_space<vmem>>, vector<1x512xf32>
    %add3A_20 = vector.broadcast %get3A_19 : vector<1x512xf32> to vector<256x512xf32>
    %add3A_21 = arith.addf %dot_general3A_16, %add3A_20 : vector<256x512xf32>
    %mul3A = arith.mulf %add3A_21, %add3A_21 : vector<256x512xf32>
    %reduce_sum3A = arith.constant dense<0.000000e+00> : vector<256xf32>
    %reduce_sum3A_22 = vector.multi_reduction <add>, %mul3A, %reduce_sum3A [1] : vector<256x512xf32> to vector<256xf32>
    %broadcast_in_dim3A = vector.shape_cast %reduce_sum3A_22 : vector<256xf32> to vector<256x1xf32>
    %sqrt3A = math.sqrt %broadcast_in_dim3A : vector<256x1xf32>
    %max3A_23 = arith.constant 9.99999996E-13 : f32
    %max3A_24 = vector.broadcast %max3A_23 : f32 to vector<256x1xf32>
    %max3A_25 = arith.maximumf %sqrt3A, %max3A_24 : vector<256x1xf32>
    %div3A = vector.broadcast %max3A_25 : vector<256x1xf32> to vector<256x512xf32>
    %div3A_26 = arith.divf %add3A_21, %div3A : vector<256x512xf32>
    %swap3A = arith.constant 0 : index
    %swap3A_27 = arith.constant 0 : index
    %swap3A_28 = vector.load %arg8[%swap3A, %swap3A_27] : memref<256x512xf32, #tpu.memory_space<vmem>>, vector<256x512xf32>
    tpu.vector_store %arg8[%swap3A, %swap3A_27], %div3A_26 {strides = array<i32>} : memref<256x512xf32, #tpu.memory_space<vmem>>, vector<256x512xf32>,
    %get3A_29 = arith.constant 0 : index
    %get3A_30 = arith.constant 0 : index
    %get3A_31 = vector.load %arg2[%get3A_29, %get3A_30] : memref<256x512xf32, #tpu.memory_space<vmem>>, vector<256x512xf32>
    %get3A_32 = arith.constant 0 : index
    %get3A_33 = arith.constant 0 : index
    %get3A_34 = vector.load %arg7[%get3A_32, %get3A_33] : memref<512x512xf32, #tpu.memory_space<vmem>>, vector<512x512xf32>
    %dot_general3A_35 = arith.constant dense<0.000000e+00> : vector<256x512xf32>
    %dot_general3A_36 = tpu.matmul %get3A_31, %get3A_34, %dot_general3A_35 {dimension_numbers = #tpu.dot_dimension_numbers<[1], [0], [0], [1], [0, 0, 1, 1], [], []>, transpose_lhs_hint = false} : vector<256x512xf32>, vector<512x512xf32>, vector<256x512xf32> -> vector<256x512xf32>
    %swap3A_37 = arith.constant 0 : index
    %swap3A_38 = arith.constant 0 : index
    %swap3A_39 = vector.load %arg9[%swap3A_37, %swap3A_38] : memref<256x512xf32, #tpu.memory_space<vmem>>, vector<256x512xf32>
    tpu.vector_store %arg9[%swap3A_37, %swap3A_38], %dot_general3A_36 {strides = array<i32>} : memref<256x512xf32, #tpu.memory_space<vmem>>, vector<256x512xf32>,
    return
  }
  func.func @transform_0(%arg0: i32) -> (i32, i32) {
    %c0_i32 = arith.constant 0 : i32
    %c0_i32_0 = arith.constant 0 : i32
    return %arg0, %c0_i32 : i32, i32
  }
  func.func @transform_1(%arg0: i32) -> (i32, i32) {
    %c0_i32 = arith.constant 0 : i32
    %c0_i32_0 = arith.constant 0 : i32
    return %arg0, %c0_i32 : i32, i32
  }
  func.func @transform_2(%arg0: i32) -> (i32, i32) {
    %c0_i32 = arith.constant 0 : i32
    %c0_i32_0 = arith.constant 0 : i32
    %c0_i32_1 = arith.constant 0 : i32
    return %c0_i32, %c0_i32_0 : i32, i32
  }
  func.func @transform_3(%arg0: i32) -> (i32, i32) {
    %c0_i32 = arith.constant 0 : i32
    %c0_i32_0 = arith.constant 0 : i32
    %c0_i32_1 = arith.constant 0 : i32
    return %c0_i32, %c0_i32_0 : i32, i32
  }
  func.func @transform_4(%arg0: i32) -> (i32, i32) {
    %c0_i32 = arith.constant 0 : i32
    %c0_i32_0 = arith.constant 0 : i32
    %c0_i32_1 = arith.constant 0 : i32
    return %c0_i32, %c0_i32_0 : i32, i32
  }
  func.func @transform_5(%arg0: i32) -> (i32, i32) {
    %c0_i32 = arith.constant 0 : i32
    %c0_i32_0 = arith.constant 0 : i32
    %c0_i32_1 = arith.constant 0 : i32
    return %c0_i32, %c0_i32_0 : i32, i32
  }
  func.func @transform_6(%arg0: i32) -> (i32, i32) {
    %c0_i32 = arith.constant 0 : i32
    %c0_i32_0 = arith.constant 0 : i32
    %c0_i32_1 = arith.constant 0 : i32
    return %c0_i32, %c0_i32_0 : i32, i32
  }
  func.func @transform_7(%arg0: i32) -> (i32, i32) {
    %c0_i32 = arith.constant 0 : i32
    %c0_i32_0 = arith.constant 0 : i32
    return %arg0, %c0_i32 : i32, i32
  }
  func.func @transform_8(%arg0: i32) -> (i32, i32) {
    %c0_i32 = arith.constant 0 : i32
    %c0_i32_0 = arith.constant 0 : i32
    return %arg0, %c0_i32 : i32, i32
  }
}

module attributes {stable_mosaic.version = 14 : i64} {
  func.func @_k2b_body(%arg0: i32, %arg1: memref<256x512xf32, #tpu.memory_space<vmem>>, %arg2: memref<4096x512xf32, #tpu.memory_space<vmem>>, %arg3: memref<256x1xf32, #tpu.memory_space<vmem>>, %arg4: memref<256x1xf32, #tpu.memory_space<vmem>>, %arg5: memref<1x4096xf32, #tpu.memory_space<vmem>>) attributes {dimension_semantics = [#tpu.dimension_semantics<arbitrary>], iteration_bounds = array<i64: 16>, scalar_prefetch = 0 : i64, scratch_operands = 0 : i64, tpu.core_type = #tpu.core_type<tc>, window_params = [{transform_indices = @transform_0, window_bounds = array<i64: 256, 512>}, {pipeline_mode = #tpu.pipeline_mode<synchronous>, transform_indices = @transform_1, window_bounds = array<i64: 4096, 512>}, {transform_indices = @transform_2, window_bounds = array<i64: 256, 1>}, {transform_indices = @transform_3, window_bounds = array<i64: 256, 1>}, {pipeline_mode = #tpu.pipeline_mode<synchronous>, transform_indices = @transform_4, window_bounds = array<i64: 1, 4096>}]} {
    %get3A = arith.constant 0 : index
    %get3A_0 = arith.constant 0 : index
    %get3A_1 = vector.load %arg1[%get3A, %get3A_0] : memref<256x512xf32, #tpu.memory_space<vmem>>, vector<256x512xf32>
    %get3A_2 = arith.constant 0 : index
    %get3A_3 = arith.constant 0 : index
    %get3A_4 = vector.load %arg2[%get3A_2, %get3A_3] : memref<4096x512xf32, #tpu.memory_space<vmem>>, vector<4096x512xf32>
    %dot_general3A = arith.constant dense<0.000000e+00> : vector<256x4096xf32>
    %dot_general3A_5 = tpu.matmul %get3A_1, %get3A_4, %dot_general3A {dimension_numbers = #tpu.dot_dimension_numbers<[1], [1], [0], [0], [0, 0, 1, 0], [], []>, transpose_lhs_hint = false} : vector<256x512xf32>, vector<4096x512xf32>, vector<256x4096xf32> -> vector<256x4096xf32>
    %get3A_6 = arith.constant 0 : index
    %get3A_7 = arith.constant 0 : index
    %get3A_8 = vector.load %arg3[%get3A_6, %get3A_7] : memref<256x1xf32, #tpu.memory_space<vmem>>, vector<256x1xf32>
    %ge3A = vector.broadcast %get3A_8 : vector<256x1xf32> to vector<256x4096xf32>
    %ge3A_9 = arith.cmpf oge, %dot_general3A_5, %ge3A : vector<256x4096xf32>
    %max3A = arith.constant 0.000000e+00 : f32
    %max3A_10 = vector.broadcast %max3A : f32 to vector<256x4096xf32>
    %max3A_11 = arith.maximumf %dot_general3A_5, %max3A_10 : vector<256x4096xf32>
    %jit3A = arith.constant 0.000000e+00 : f32
    %broadcast_in_dim3A = vector.broadcast %jit3A : f32 to vector<256x4096xf32>
    %select_n3A = arith.select %ge3A_9, %max3A_11, %broadcast_in_dim3A : vector<256x4096xi1>, vector<256x4096xf32>
    %reduce_sum3A = arith.constant dense<0.000000e+00> : vector<256xf32>
    %reduce_sum3A_12 = vector.multi_reduction <add>, %select_n3A, %reduce_sum3A [1] : vector<256x4096xf32> to vector<256xf32>
    %broadcast_in_dim3A_13 = vector.shape_cast %reduce_sum3A_12 : vector<256xf32> to vector<256x1xf32>
    %swap3A = arith.constant 0 : index
    %swap3A_14 = arith.constant 0 : index
    %swap3A_15 = vector.load %arg4[%swap3A, %swap3A_14] : memref<256x1xf32, #tpu.memory_space<vmem>>, vector<256x1xf32>
    tpu.vector_store %arg4[%swap3A, %swap3A_14], %broadcast_in_dim3A_13 {strides = array<i32>} : memref<256x1xf32, #tpu.memory_space<vmem>>, vector<256x1xf32>,
    %reduce_sum3A_16 = arith.constant dense<0.000000e+00> : vector<4096xf32>
    %reduce_sum3A_17 = vector.multi_reduction <add>, %select_n3A, %reduce_sum3A_16 [0] : vector<256x4096xf32> to vector<4096xf32>
    %broadcast_in_dim3A_18 = vector.shape_cast %reduce_sum3A_17 : vector<4096xf32> to vector<1x4096xf32>
    %eq3A = arith.constant 0 : i32
    %eq3A_19 = arith.cmpi eq, %arg0, %eq3A : i32
    %convert_element_type3A = arith.extui %eq3A_19 : i1 to i32
    %cond3A = arith.constant 0 : i32
    %cond3A_20 = arith.cmpi ne, %convert_element_type3A, %cond3A : i32
    scf.if %cond3A_20 {
      %swap3A_25 = arith.constant 0 : index
      %swap3A_26 = arith.constant 0 : index
      %swap3A_27 = vector.load %arg5[%swap3A_25, %swap3A_26] : memref<1x4096xf32, #tpu.memory_space<vmem>>, vector<1x4096xf32>
      tpu.vector_store %arg5[%swap3A_25, %swap3A_26], %broadcast_in_dim3A_18 {strides = array<i32>} : memref<1x4096xf32, #tpu.memory_space<vmem>>, vector<1x4096xf32>,
    } else {
    }
    %ne3A = arith.constant 0 : i32
    %ne3A_21 = arith.cmpi ne, %arg0, %ne3A : i32
    %convert_element_type3A_22 = arith.extui %ne3A_21 : i1 to i32
    %cond3A_23 = arith.constant 0 : i32
    %cond3A_24 = arith.cmpi ne, %convert_element_type3A_22, %cond3A_23 : i32
    scf.if %cond3A_24 {
      %get3A_25 = arith.constant 0 : index
      %get3A_26 = arith.constant 0 : index
      %get3A_27 = vector.load %arg5[%get3A_25, %get3A_26] : memref<1x4096xf32, #tpu.memory_space<vmem>>, vector<1x4096xf32>
      %add3A = arith.addf %get3A_27, %broadcast_in_dim3A_18 : vector<1x4096xf32>
      %swap3A_28 = arith.constant 0 : index
      %swap3A_29 = arith.constant 0 : index
      %swap3A_30 = vector.load %arg5[%swap3A_28, %swap3A_29] : memref<1x4096xf32, #tpu.memory_space<vmem>>, vector<1x4096xf32>
      tpu.vector_store %arg5[%swap3A_28, %swap3A_29], %add3A {strides = array<i32>} : memref<1x4096xf32, #tpu.memory_space<vmem>>, vector<1x4096xf32>,
    } else {
    }
    return
  }
  func.func @transform_0(%arg0: i32) -> (i32, i32) {
    %c0_i32 = arith.constant 0 : i32
    %c0_i32_0 = arith.constant 0 : i32
    return %arg0, %c0_i32 : i32, i32
  }
  func.func @transform_1(%arg0: i32) -> (i32, i32) {
    %c0_i32 = arith.constant 0 : i32
    %c0_i32_0 = arith.constant 0 : i32
    %c0_i32_1 = arith.constant 0 : i32
    return %c0_i32, %c0_i32_0 : i32, i32
  }
  func.func @transform_2(%arg0: i32) -> (i32, i32) {
    %c0_i32 = arith.constant 0 : i32
    %c0_i32_0 = arith.constant 0 : i32
    return %arg0, %c0_i32 : i32, i32
  }
  func.func @transform_3(%arg0: i32) -> (i32, i32) {
    %c0_i32 = arith.constant 0 : i32
    %c0_i32_0 = arith.constant 0 : i32
    return %arg0, %c0_i32 : i32, i32
  }
  func.func @transform_4(%arg0: i32) -> (i32, i32) {
    %c0_i32 = arith.constant 0 : i32
    %c0_i32_0 = arith.constant 0 : i32
    %c0_i32_1 = arith.constant 0 : i32
    return %c0_i32, %c0_i32_0 : i32, i32
  }
}

module attributes {stable_mosaic.version = 14 : i64} {
  func.func @_k2a_body(%arg0: i32, %arg1: memref<256x512xf32, #tpu.memory_space<vmem>>, %arg2: memref<4096x512xf32, #tpu.memory_space<vmem>>, %arg3: memref<256x4096xf32, #tpu.memory_space<vmem>>) attributes {dimension_semantics = [#tpu.dimension_semantics<arbitrary>], iteration_bounds = array<i64: 16>, scalar_prefetch = 0 : i64, scratch_operands = 0 : i64, tpu.core_type = #tpu.core_type<tc>, window_params = [{transform_indices = @transform_0, window_bounds = array<i64: 256, 512>}, {pipeline_mode = #tpu.pipeline_mode<synchronous>, transform_indices = @transform_1, window_bounds = array<i64: 4096, 512>}, {transform_indices = @transform_2, window_bounds = array<i64: 256, 4096>}]} {
    %get3A = arith.constant 0 : index
    %get3A_0 = arith.constant 0 : index
    %get3A_1 = vector.load %arg1[%get3A, %get3A_0] : memref<256x512xf32, #tpu.memory_space<vmem>>, vector<256x512xf32>
    %get3A_2 = arith.constant 0 : index
    %get3A_3 = arith.constant 0 : index
    %get3A_4 = vector.load %arg2[%get3A_2, %get3A_3] : memref<4096x512xf32, #tpu.memory_space<vmem>>, vector<4096x512xf32>
    %dot_general3A = arith.constant dense<0.000000e+00> : vector<256x4096xf32>
    %dot_general3A_5 = tpu.matmul %get3A_1, %get3A_4, %dot_general3A {dimension_numbers = #tpu.dot_dimension_numbers<[1], [1], [0], [0], [0, 0, 1, 0], [], []>, transpose_lhs_hint = false} : vector<256x512xf32>, vector<4096x512xf32>, vector<256x4096xf32> -> vector<256x4096xf32>
    %swap3A = arith.constant 0 : index
    %swap3A_6 = arith.constant 0 : index
    %swap3A_7 = vector.load %arg3[%swap3A, %swap3A_6] : memref<256x4096xf32, #tpu.memory_space<vmem>>, vector<256x4096xf32>
    tpu.vector_store %arg3[%swap3A, %swap3A_6], %dot_general3A_5 {strides = array<i32>} : memref<256x4096xf32, #tpu.memory_space<vmem>>, vector<256x4096xf32>,
    return
  }
  func.func @transform_0(%arg0: i32) -> (i32, i32) {
    %c0_i32 = arith.constant 0 : i32
    %c0_i32_0 = arith.constant 0 : i32
    return %arg0, %c0_i32 : i32, i32
  }
  func.func @transform_1(%arg0: i32) -> (i32, i32) {
    %c0_i32 = arith.constant 0 : i32
    %c0_i32_0 = arith.constant 0 : i32
    %c0_i32_1 = arith.constant 0 : i32
    return %c0_i32, %c0_i32_0 : i32, i32
  }
  func.func @transform_2(%arg0: i32) -> (i32, i32) {
    %c0_i32 = arith.constant 0 : i32
    %c0_i32_0 = arith.constant 0 : i32
    return %arg0, %c0_i32 : i32, i32
  }
}

module attributes {stable_mosaic.version = 14 : i64} {
  func.func @_k3_body(%arg0: i32, %arg1: memref<256x512xf32, #tpu.memory_space<vmem>>, %arg2: memref<4096x512xf32, #tpu.memory_space<vmem>>, %arg3: memref<256x1xf32, #tpu.memory_space<vmem>>, %arg4: memref<1x4096xf32, #tpu.memory_space<vmem>>, %arg5: memref<256x1xf32, #tpu.memory_space<vmem>>, %arg6: memref<1x4096xf32, #tpu.memory_space<vmem>>, %arg7: memref<4096x512xf32, #tpu.memory_space<vmem>>, %arg8: memref<512x256xf32, #tpu.memory_space<vmem>>, %arg9: memref<1x512xf32, #tpu.memory_space<vmem>>, %arg10: memref<256x256xf32, #tpu.memory_space<vmem>>) attributes {dimension_semantics = [#tpu.dimension_semantics<arbitrary>], iteration_bounds = array<i64: 16>, scalar_prefetch = 0 : i64, scratch_operands = 0 : i64, tpu.core_type = #tpu.core_type<tc>, window_params = [{transform_indices = @transform_0, window_bounds = array<i64: 256, 512>}, {pipeline_mode = #tpu.pipeline_mode<synchronous>, transform_indices = @transform_1, window_bounds = array<i64: 4096, 512>}, {transform_indices = @transform_2, window_bounds = array<i64: 256, 1>}, {pipeline_mode = #tpu.pipeline_mode<synchronous>, transform_indices = @transform_3, window_bounds = array<i64: 1, 4096>}, {transform_indices = @transform_4, window_bounds = array<i64: 256, 1>}, {pipeline_mode = #tpu.pipeline_mode<synchronous>, transform_indices = @transform_5, window_bounds = array<i64: 1, 4096>}, {pipeline_mode = #tpu.pipeline_mode<synchronous>, transform_indices = @transform_6, window_bounds = array<i64: 4096, 512>}, {pipeline_mode = #tpu.pipeline_mode<synchronous>, transform_indices = @transform_7, window_bounds = array<i64: 512, 256>}, {pipeline_mode = #tpu.pipeline_mode<synchronous>, transform_indices = @transform_8, window_bounds = array<i64: 1, 512>}, {transform_indices = @transform_9, window_bounds = array<i64: 256, 256>}]} {
    %get3A = arith.constant 0 : index
    %get3A_0 = arith.constant 0 : index
    %get3A_1 = vector.load %arg1[%get3A, %get3A_0] : memref<256x512xf32, #tpu.memory_space<vmem>>, vector<256x512xf32>
    %get3A_2 = arith.constant 0 : index
    %get3A_3 = arith.constant 0 : index
    %get3A_4 = vector.load %arg2[%get3A_2, %get3A_3] : memref<4096x512xf32, #tpu.memory_space<vmem>>, vector<4096x512xf32>
    %dot_general3A = arith.constant dense<0.000000e+00> : vector<256x4096xf32>
    %dot_general3A_5 = tpu.matmul %get3A_1, %get3A_4, %dot_general3A {dimension_numbers = #tpu.dot_dimension_numbers<[1], [1], [0], [0], [0, 0, 1, 0], [], []>, transpose_lhs_hint = false} : vector<256x512xf32>, vector<4096x512xf32>, vector<256x4096xf32> -> vector<256x4096xf32>
    %max3A = arith.constant 0.000000e+00 : f32
    %max3A_6 = vector.broadcast %max3A : f32 to vector<256x4096xf32>
    %max3A_7 = arith.maximumf %dot_general3A_5, %max3A_6 : vector<256x4096xf32>
    %get3A_8 = arith.constant 0 : index
    %get3A_9 = arith.constant 0 : index
    %get3A_10 = vector.load %arg3[%get3A_8, %get3A_9] : memref<256x1xf32, #tpu.memory_space<vmem>>, vector<256x1xf32>
    %ge3A = vector.broadcast %get3A_10 : vector<256x1xf32> to vector<256x4096xf32>
    %ge3A_11 = arith.cmpf oge, %dot_general3A_5, %ge3A : vector<256x4096xf32>
    %jit3A = arith.constant 5.000000e-01 : f32
    %jit3A_12 = arith.constant 0.000000e+00 : f32
    %broadcast_in_dim3A = vector.broadcast %jit3A : f32 to vector<256x4096xf32>
    %broadcast_in_dim3A_13 = vector.broadcast %jit3A_12 : f32 to vector<256x4096xf32>
    %select_n3A = arith.select %ge3A_11, %broadcast_in_dim3A, %broadcast_in_dim3A_13 : vector<256x4096xi1>, vector<256x4096xf32>
    %get3A_14 = arith.constant 0 : index
    %get3A_15 = arith.constant 0 : index
    %get3A_16 = vector.load %arg4[%get3A_14, %get3A_15] : memref<1x4096xf32, #tpu.memory_space<vmem>>, vector<1x4096xf32>
    %ge3A_17 = vector.broadcast %get3A_16 : vector<1x4096xf32> to vector<256x4096xf32>
    %ge3A_18 = arith.cmpf oge, %dot_general3A_5, %ge3A_17 : vector<256x4096xf32>
    %jit3A_19 = arith.constant 5.000000e-01 : f32
    %jit3A_20 = arith.constant 0.000000e+00 : f32
    %broadcast_in_dim3A_21 = vector.broadcast %jit3A_19 : f32 to vector<256x4096xf32>
    %broadcast_in_dim3A_22 = vector.broadcast %jit3A_20 : f32 to vector<256x4096xf32>
    %select_n3A_23 = arith.select %ge3A_18, %broadcast_in_dim3A_21, %broadcast_in_dim3A_22 : vector<256x4096xi1>, vector<256x4096xf32>
    %add3A = arith.addf %select_n3A, %select_n3A_23 : vector<256x4096xf32>
    %get3A_24 = arith.constant 0 : index
    %get3A_25 = arith.constant 0 : index
    %get3A_26 = vector.load %arg5[%get3A_24, %get3A_25] : memref<256x1xf32, #tpu.memory_space<vmem>>, vector<256x1xf32>
    %mul3A = arith.mulf %max3A_7, %add3A : vector<256x4096xf32>
    %mul3A_27 = vector.broadcast %get3A_26 : vector<256x1xf32> to vector<256x4096xf32>
    %mul3A_28 = arith.mulf %mul3A_27, %mul3A : vector<256x4096xf32>
    %get3A_29 = arith.constant 0 : index
    %get3A_30 = arith.constant 0 : index
    %get3A_31 = vector.load %arg6[%get3A_29, %get3A_30] : memref<1x4096xf32, #tpu.memory_space<vmem>>, vector<1x4096xf32>
    %mul3A_32 = vector.broadcast %get3A_31 : vector<1x4096xf32> to vector<256x4096xf32>
    %mul3A_33 = arith.mulf %mul3A_28, %mul3A_32 : vector<256x4096xf32>
    %get3A_34 = arith.constant 0 : index
    %get3A_35 = arith.constant 0 : index
    %get3A_36 = vector.load %arg7[%get3A_34, %get3A_35] : memref<4096x512xf32, #tpu.memory_space<vmem>>, vector<4096x512xf32>
    %dot_general3A_37 = arith.constant dense<0.000000e+00> : vector<256x512xf32>
    %dot_general3A_38 = tpu.matmul %mul3A_33, %get3A_36, %dot_general3A_37 {dimension_numbers = #tpu.dot_dimension_numbers<[1], [0], [0], [1], [0, 0, 1, 1], [], []>, transpose_lhs_hint = false} : vector<256x4096xf32>, vector<4096x512xf32>, vector<256x512xf32> -> vector<256x512xf32>
    %get3A_39 = arith.constant 0 : index
    %get3A_40 = arith.constant 0 : index
    %get3A_41 = vector.load %arg9[%get3A_39, %get3A_40] : memref<1x512xf32, #tpu.memory_space<vmem>>, vector<1x512xf32>
    %add3A_42 = vector.broadcast %get3A_41 : vector<1x512xf32> to vector<256x512xf32>
    %add3A_43 = arith.addf %dot_general3A_38, %add3A_42 : vector<256x512xf32>
    %max3A_44 = arith.constant 0.000000e+00 : f32
    %max3A_45 = vector.broadcast %max3A_44 : f32 to vector<256x512xf32>
    %max3A_46 = arith.maximumf %add3A_43, %max3A_45 : vector<256x512xf32>
    %get3A_47 = arith.constant 0 : index
    %get3A_48 = arith.constant 0 : index
    %get3A_49 = vector.load %arg8[%get3A_47, %get3A_48] : memref<512x256xf32, #tpu.memory_space<vmem>>, vector<512x256xf32>
    %dot_general3A_50 = arith.constant dense<0.000000e+00> : vector<256x256xf32>
    %dot_general3A_51 = tpu.matmul %max3A_46, %get3A_49, %dot_general3A_50 {dimension_numbers = #tpu.dot_dimension_numbers<[1], [0], [0], [1], [0, 0, 1, 1], [], []>, transpose_lhs_hint = false} : vector<256x512xf32>, vector<512x256xf32>, vector<256x256xf32> -> vector<256x256xf32>
    %swap3A = arith.constant 0 : index
    %swap3A_52 = arith.constant 0 : index
    %swap3A_53 = vector.load %arg10[%swap3A, %swap3A_52] : memref<256x256xf32, #tpu.memory_space<vmem>>, vector<256x256xf32>
    tpu.vector_store %arg10[%swap3A, %swap3A_52], %dot_general3A_51 {strides = array<i32>} : memref<256x256xf32, #tpu.memory_space<vmem>>, vector<256x256xf32>,
    return
  }
  func.func @transform_0(%arg0: i32) -> (i32, i32) {
    %c0_i32 = arith.constant 0 : i32
    %c0_i32_0 = arith.constant 0 : i32
    return %arg0, %c0_i32 : i32, i32
  }
  func.func @transform_1(%arg0: i32) -> (i32, i32) {
    %c0_i32 = arith.constant 0 : i32
    %c0_i32_0 = arith.constant 0 : i32
    %c0_i32_1 = arith.constant 0 : i32
    return %c0_i32, %c0_i32_0 : i32, i32
  }
  func.func @transform_2(%arg0: i32) -> (i32, i32) {
    %c0_i32 = arith.constant 0 : i32
    %c0_i32_0 = arith.constant 0 : i32
    return %arg0, %c0_i32 : i32, i32
  }
  func.func @transform_3(%arg0: i32) -> (i32, i32) {
    %c0_i32 = arith.constant 0 : i32
    %c0_i32_0 = arith.constant 0 : i32
    %c0_i32_1 = arith.constant 0 : i32
    return %c0_i32, %c0_i32_0 : i32, i32
  }
  func.func @transform_4(%arg0: i32) -> (i32, i32) {
    %c0_i32 = arith.constant 0 : i32
    %c0_i32_0 = arith.constant 0 : i32
    return %arg0, %c0_i32 : i32, i32
  }
  func.func @transform_5(%arg0: i32) -> (i32, i32) {
    %c0_i32 = arith.constant 0 : i32
    %c0_i32_0 = arith.constant 0 : i32
    %c0_i32_1 = arith.constant 0 : i32
    return %c0_i32, %c0_i32_0 : i32, i32
  }
  func.func @transform_6(%arg0: i32) -> (i32, i32) {
    %c0_i32 = arith.constant 0 : i32
    %c0_i32_0 = arith.constant 0 : i32
    %c0_i32_1 = arith.constant 0 : i32
    return %c0_i32, %c0_i32_0 : i32, i32
  }
  func.func @transform_7(%arg0: i32) -> (i32, i32) {
    %c0_i32 = arith.constant 0 : i32
    %c0_i32_0 = arith.constant 0 : i32
    %c0_i32_1 = arith.constant 0 : i32
    return %c0_i32, %c0_i32_0 : i32, i32
  }
  func.func @transform_8(%arg0: i32) -> (i32, i32) {
    %c0_i32 = arith.constant 0 : i32
    %c0_i32_0 = arith.constant 0 : i32
    %c0_i32_1 = arith.constant 0 : i32
    return %c0_i32, %c0_i32_0 : i32, i32
  }
  func.func @transform_9(%arg0: i32) -> (i32, i32) {
    %c0_i32 = arith.constant 0 : i32
    %c0_i32_0 = arith.constant 0 : i32
    return %arg0, %c0_i32 : i32, i32
  }
}

module attributes {stable_mosaic.version = 14 : i64} {
  func.func @_k4_body(%arg0: i32, %arg1: memref<256x512xf32, #tpu.memory_space<vmem>>, %arg2: memref<4096x512xf32, #tpu.memory_space<vmem>>, %arg3: memref<256x1xf32, #tpu.memory_space<vmem>>, %arg4: memref<1x4096xf32, #tpu.memory_space<vmem>>, %arg5: memref<256x1xf32, #tpu.memory_space<vmem>>, %arg6: memref<1x4096xf32, #tpu.memory_space<vmem>>, %arg7: memref<4096x256xf32, #tpu.memory_space<vmem>>, %arg8: memref<1x256xf32, #tpu.memory_space<vmem>>, %arg9: memref<256x4096xf32, #tpu.memory_space<vmem>>, %arg10: memref<256x256xf32, #tpu.memory_space<vmem>>) attributes {dimension_semantics = [#tpu.dimension_semantics<arbitrary>], iteration_bounds = array<i64: 16>, scalar_prefetch = 0 : i64, scratch_operands = 0 : i64, tpu.core_type = #tpu.core_type<tc>, window_params = [{transform_indices = @transform_0, window_bounds = array<i64: 256, 512>}, {pipeline_mode = #tpu.pipeline_mode<synchronous>, transform_indices = @transform_1, window_bounds = array<i64: 4096, 512>}, {transform_indices = @transform_2, window_bounds = array<i64: 256, 1>}, {pipeline_mode = #tpu.pipeline_mode<synchronous>, transform_indices = @transform_3, window_bounds = array<i64: 1, 4096>}, {transform_indices = @transform_4, window_bounds = array<i64: 256, 1>}, {pipeline_mode = #tpu.pipeline_mode<synchronous>, transform_indices = @transform_5, window_bounds = array<i64: 1, 4096>}, {pipeline_mode = #tpu.pipeline_mode<synchronous>, transform_indices = @transform_6, window_bounds = array<i64: 4096, 256>}, {pipeline_mode = #tpu.pipeline_mode<synchronous>, transform_indices = @transform_7, window_bounds = array<i64: 1, 256>}, {transform_indices = @transform_8, window_bounds = array<i64: 256, 4096>}, {transform_indices = @transform_9, window_bounds = array<i64: 256, 256>}]} {
    %get3A = arith.constant 0 : index
    %get3A_0 = arith.constant 0 : index
    %get3A_1 = vector.load %arg1[%get3A, %get3A_0] : memref<256x512xf32, #tpu.memory_space<vmem>>, vector<256x512xf32>
    %get3A_2 = arith.constant 0 : index
    %get3A_3 = arith.constant 0 : index
    %get3A_4 = vector.load %arg2[%get3A_2, %get3A_3] : memref<4096x512xf32, #tpu.memory_space<vmem>>, vector<4096x512xf32>
    %dot_general3A = arith.constant dense<0.000000e+00> : vector<256x4096xf32>
    %dot_general3A_5 = tpu.matmul %get3A_1, %get3A_4, %dot_general3A {dimension_numbers = #tpu.dot_dimension_numbers<[1], [1], [0], [0], [0, 0, 1, 0], [], []>, transpose_lhs_hint = false} : vector<256x512xf32>, vector<4096x512xf32>, vector<256x4096xf32> -> vector<256x4096xf32>
    %max3A = arith.constant 0.000000e+00 : f32
    %max3A_6 = vector.broadcast %max3A : f32 to vector<256x4096xf32>
    %max3A_7 = arith.maximumf %dot_general3A_5, %max3A_6 : vector<256x4096xf32>
    %get3A_8 = arith.constant 0 : index
    %get3A_9 = arith.constant 0 : index
    %get3A_10 = vector.load %arg3[%get3A_8, %get3A_9] : memref<256x1xf32, #tpu.memory_space<vmem>>, vector<256x1xf32>
    %ge3A = vector.broadcast %get3A_10 : vector<256x1xf32> to vector<256x4096xf32>
    %ge3A_11 = arith.cmpf oge, %dot_general3A_5, %ge3A : vector<256x4096xf32>
    %jit3A = arith.constant 5.000000e-01 : f32
    %jit3A_12 = arith.constant 0.000000e+00 : f32
    %broadcast_in_dim3A = vector.broadcast %jit3A : f32 to vector<256x4096xf32>
    %broadcast_in_dim3A_13 = vector.broadcast %jit3A_12 : f32 to vector<256x4096xf32>
    %select_n3A = arith.select %ge3A_11, %broadcast_in_dim3A, %broadcast_in_dim3A_13 : vector<256x4096xi1>, vector<256x4096xf32>
    %get3A_14 = arith.constant 0 : index
    %get3A_15 = arith.constant 0 : index
    %get3A_16 = vector.load %arg4[%get3A_14, %get3A_15] : memref<1x4096xf32, #tpu.memory_space<vmem>>, vector<1x4096xf32>
    %ge3A_17 = vector.broadcast %get3A_16 : vector<1x4096xf32> to vector<256x4096xf32>
    %ge3A_18 = arith.cmpf oge, %dot_general3A_5, %ge3A_17 : vector<256x4096xf32>
    %jit3A_19 = arith.constant 5.000000e-01 : f32
    %jit3A_20 = arith.constant 0.000000e+00 : f32
    %broadcast_in_dim3A_21 = vector.broadcast %jit3A_19 : f32 to vector<256x4096xf32>
    %broadcast_in_dim3A_22 = vector.broadcast %jit3A_20 : f32 to vector<256x4096xf32>
    %select_n3A_23 = arith.select %ge3A_18, %broadcast_in_dim3A_21, %broadcast_in_dim3A_22 : vector<256x4096xi1>, vector<256x4096xf32>
    %add3A = arith.addf %select_n3A, %select_n3A_23 : vector<256x4096xf32>
    %get3A_24 = arith.constant 0 : index
    %get3A_25 = arith.constant 0 : index
    %get3A_26 = vector.load %arg5[%get3A_24, %get3A_25] : memref<256x1xf32, #tpu.memory_space<vmem>>, vector<256x1xf32>
    %mul3A = arith.mulf %max3A_7, %add3A : vector<256x4096xf32>
    %mul3A_27 = vector.broadcast %get3A_26 : vector<256x1xf32> to vector<256x4096xf32>
    %mul3A_28 = arith.mulf %mul3A_27, %mul3A : vector<256x4096xf32>
    %get3A_29 = arith.constant 0 : index
    %get3A_30 = arith.constant 0 : index
    %get3A_31 = vector.load %arg6[%get3A_29, %get3A_30] : memref<1x4096xf32, #tpu.memory_space<vmem>>, vector<1x4096xf32>
    %mul3A_32 = vector.broadcast %get3A_31 : vector<1x4096xf32> to vector<256x4096xf32>
    %mul3A_33 = arith.mulf %mul3A_28, %mul3A_32 : vector<256x4096xf32>
    %swap3A = arith.constant 0 : index
    %swap3A_34 = arith.constant 0 : index
    %swap3A_35 = vector.load %arg9[%swap3A, %swap3A_34] : memref<256x4096xf32, #tpu.memory_space<vmem>>, vector<256x4096xf32>
    tpu.vector_store %arg9[%swap3A, %swap3A_34], %mul3A_33 {strides = array<i32>} : memref<256x4096xf32, #tpu.memory_space<vmem>>, vector<256x4096xf32>,
    %get3A_36 = arith.constant 0 : index
    %get3A_37 = arith.constant 0 : index
    %get3A_38 = vector.load %arg7[%get3A_36, %get3A_37] : memref<4096x256xf32, #tpu.memory_space<vmem>>, vector<4096x256xf32>
    %dot_general3A_39 = arith.constant dense<0.000000e+00> : vector<256x256xf32>
    %dot_general3A_40 = tpu.matmul %mul3A_33, %get3A_38, %dot_general3A_39 {dimension_numbers = #tpu.dot_dimension_numbers<[1], [0], [0], [1], [0, 0, 1, 1], [], []>, transpose_lhs_hint = false} : vector<256x4096xf32>, vector<4096x256xf32>, vector<256x256xf32> -> vector<256x256xf32>
    %get3A_41 = arith.constant 0 : index
    %get3A_42 = arith.constant 0 : index
    %get3A_43 = vector.load %arg8[%get3A_41, %get3A_42] : memref<1x256xf32, #tpu.memory_space<vmem>>, vector<1x256xf32>
    %add3A_44 = vector.broadcast %get3A_43 : vector<1x256xf32> to vector<256x256xf32>
    %add3A_45 = arith.addf %dot_general3A_40, %add3A_44 : vector<256x256xf32>
    %swap3A_46 = arith.constant 0 : index
    %swap3A_47 = arith.constant 0 : index
    %swap3A_48 = vector.load %arg10[%swap3A_46, %swap3A_47] : memref<256x256xf32, #tpu.memory_space<vmem>>, vector<256x256xf32>
    tpu.vector_store %arg10[%swap3A_46, %swap3A_47], %add3A_45 {strides = array<i32>} : memref<256x256xf32, #tpu.memory_space<vmem>>, vector<256x256xf32>,
    return
  }
  func.func @transform_0(%arg0: i32) -> (i32, i32) {
    %c0_i32 = arith.constant 0 : i32
    %c0_i32_0 = arith.constant 0 : i32
    return %arg0, %c0_i32 : i32, i32
  }
  func.func @transform_1(%arg0: i32) -> (i32, i32) {
    %c0_i32 = arith.constant 0 : i32
    %c0_i32_0 = arith.constant 0 : i32
    %c0_i32_1 = arith.constant 0 : i32
    return %c0_i32, %c0_i32_0 : i32, i32
  }
  func.func @transform_2(%arg0: i32) -> (i32, i32) {
    %c0_i32 = arith.constant 0 : i32
    %c0_i32_0 = arith.constant 0 : i32
    return %arg0, %c0_i32 : i32, i32
  }
  func.func @transform_3(%arg0: i32) -> (i32, i32) {
    %c0_i32 = arith.constant 0 : i32
    %c0_i32_0 = arith.constant 0 : i32
    %c0_i32_1 = arith.constant 0 : i32
    return %c0_i32, %c0_i32_0 : i32, i32
  }
  func.func @transform_4(%arg0: i32) -> (i32, i32) {
    %c0_i32 = arith.constant 0 : i32
    %c0_i32_0 = arith.constant 0 : i32
    return %arg0, %c0_i32 : i32, i32
  }
  func.func @transform_5(%arg0: i32) -> (i32, i32) {
    %c0_i32 = arith.constant 0 : i32
    %c0_i32_0 = arith.constant 0 : i32
    %c0_i32_1 = arith.constant 0 : i32
    return %c0_i32, %c0_i32_0 : i32, i32
  }
  func.func @transform_6(%arg0: i32) -> (i32, i32) {
    %c0_i32 = arith.constant 0 : i32
    %c0_i32_0 = arith.constant 0 : i32
    %c0_i32_1 = arith.constant 0 : i32
    return %c0_i32, %c0_i32_0 : i32, i32
  }
  func.func @transform_7(%arg0: i32) -> (i32, i32) {
    %c0_i32 = arith.constant 0 : i32
    %c0_i32_0 = arith.constant 0 : i32
    %c0_i32_1 = arith.constant 0 : i32
    return %c0_i32, %c0_i32_0 : i32, i32
  }
  func.func @transform_8(%arg0: i32) -> (i32, i32) {
    %c0_i32 = arith.constant 0 : i32
    %c0_i32_0 = arith.constant 0 : i32
    return %arg0, %c0_i32 : i32, i32
  }
  func.func @transform_9(%arg0: i32) -> (i32, i32) {
    %c0_i32 = arith.constant 0 : i32
    %c0_i32_0 = arith.constant 0 : i32
    return %arg0, %c0_i32 : i32, i32
  }
}

</mosaic_0001>

<sc_bundles>
// kernel: kernel.8.cloned.1.call-start
scs
__scs_entry_jumppad:
0x0: {  	(pc) =	sbr.rel $0x88, $3  }
0x1: {  	(tag) =	ssettag $0x0;
	lr =	simm.s32 $0x1  }
0x2: {  	[smem:$0x3F97] =	sst lr;
	_ =	strace $0xD0000000  }
0x3: {  	_ = 	snop  }
0x4: {  	_ = 	snop  }
0x5: {  	_ = 	snop  }
0x6: {  	_ = 	snop  }
0x7: {  	_ = 	snop  }
__scs_overlays_trampoline_lowered:
0x8: {  	[smem:$0x3FA6] =	sst s0  }
0x9: {  	[smem:$0x3FA7] =	sst s1  }
0xa: {  	[smem:$0x3FA8] =	sst s2  }
0xb: {  	[smem:$0x3FA9] =	sst s3  }
0xc: {  	[smem:$0x3FAA] =	sst s4  }
0xd: {  	[smem:$0x3FAB] =	sst s5  }
0xe: {  	[smem:$0x3FAC] =	sst s6  }
0xf: {  	[smem:$0x3FAD] =	sst s7  }
0x10: {  	[smem:$0x3FAE] =	sst s8  }
0x11: {  	[smem:$0x3FAF] =	sst s9;
	s0 =	simm.s32 @!p0 $0x0  }
0x12: {  	s1 =	sld [smem:$0x3F95];
	s0 =	simm.s32 @p0 $0x1  }
0x13: {  	[smem:$0x3FB0] =	sst s0;
	s0 =	simm.s32 @!p1 $0x0  }
0x14: {  	s2 =	sld [smem:$0x3F94];
	s0 =	simm.s32 @p1 $0x1  }
0x15: {  	[smem:$0x3FB1] =	sst s0;
	s0 =	simm.s32 @!p2 $0x0  }
0x16: {  	s3 =	sld [smem:$0x3FDB];
	s0 =	simm.s32 @p2 $0x1  }
0x17: {  	s4 =	simm.s32 $0x1BF5;
	[smem:$0x3FB3] =	sst s0  }
0x18: {  	s0 =	sld [smem:$0x3F96];
	_ =	swait.ge [sflag:s4], $0x0  }
0x19: {  	s7 =	sld [smem:$0x3F97]  }
0x1a: {  	s8 =	sadd.s32 $0xFFFFE003, lr  }
0x1b: {  	s9 =	sadd.s32 $0xFFFFFEF7, lr;
	s5 =	simm.s32 $0xFFFFFFFF;
	p2 =	slt.u32 s8, $0xFFFFF086  }
0x1c: {  	p1 =	slt.u32 s9, $0xF7A;
	s5 =	simm.s32 @!p2 $0x0  }
0x1d: {  	s5 =	simm.s32 @p1 $0x1;
	p0 =	seq.s32 s7, s2  }
0x1e: {  	s7 =	smul.u32 @!p0 $0xF7A, s2;
	p2 =	seq.s32 @!p0 s5, $0x0  }
0x1f: {  	s9 =	smul.u32 $0xF7A, s1;
	s8 =	simm.s32 @!p0 $0x1BF5;
	p2 =	por !p2, p0  }
0x20: {  	[sflag:s8] =	ssyncset.s32 @!p0 $0xFFFFF086;
	s6 =	sadd.s32 @!p0 s3, s7;
	s7 =	simm.s32 @!p0 $0x108  }
0x21: {  	s3 =	sadd.s32 s3, s9;
	s6 =	sadd.s32 @!p0 $0x88, s6;
	s7 =	simm.s32 @p2 $0x1082  }
0x22: {  	[simem:s7], [sflag:s8] =	dma.local @!p0 [hbm:s6], $0xF7A  }
0x23: {  	s9 =	sor.u32 $0xD0000000, s2;
	s6 =	simm.s32 $0x108;
	_ =	swait.ge @!p0 [sflag:s8], $0x0  }
0x24: {  	s3 =	sadd.s32 $0x88, s3;
	s6 =	simm.s32 @!p1 $0x1082;
	[sflag:s4] =	ssyncset.s32 $0xFFFFF086  }
0x25: {  	[simem:s6], [sflag:s4] =	dma.local [hbm:s3], $0xF7A  }
0x26: {  	[smem:$0x3F97] =	sst s1;
	(tag) =	ssettag s2;
	_ =	strace s9  }
0x27: {  	s1 =	sld [smem:$0x3FA7]  }
0x28: {  	s2 =	sld [smem:$0x3FA8]  }
0x29: {  	s4 =	sld [smem:$0x3FAA]  }
0x2a: {  	p0 =	seq.s32 s5, $0x0;
	s5 =	sld [smem:$0x3FAB]  }
0x2b: {  	s6 =	sld [smem:$0x3FAC]  }
0x2c: {  	s7 =	sld [smem:$0x3FAD]  }
0x2d: {  	s3 =	simm.s32 $0x108;
	s8 =	sld [smem:$0x3FAE]  }
0x2e: {  	s3 =	simm.s32 @!p0 $0x1082;
	s9 =	sld [smem:$0x3FAF]  }
0x2f: {  	lr =	sadd.s32 s0, s3;
	s0 =	sld [smem:$0x3FA6]  }
0x30: {  	s3 =	sld [smem:$0x3FA9]  }
0x31: {  	[smem:$0x3FB2] =	sst s10  }
0x32: {  	s10 =	sld [smem:$0x3FB0];
	_ =	sdelay $0x3  }
0x33: {  	p0 =	seq.s32 s10, $0x1;
	s10 =	sld [smem:$0x3FB2];
	_ =	sdelay $0x3  }
0x34: {  	[smem:$0x3FB2] =	sst s10  }
0x35: {  	s10 =	sld [smem:$0x3FB1];
	_ =	sdelay $0x3  }
0x36: {  	p1 =	seq.s32 s10, $0x1;
	s10 =	sld [smem:$0x3FB2];
	_ =	sdelay $0x3  }
0x37: {  	[smem:$0x3FB2] =	sst s10  }
0x38: {  	s10 =	sld [smem:$0x3FB3]  }
0x39: {  	_ = 	snop;
	(pc) =	sbr.ind lr, $3  }
0x3a: {  	_ = 	snop  }
0x3b: {  	_ = 	snop  }
0x3c: {  	p2 =	seq.s32 s10, $0x1;
	s10 =	sld [smem:$0x3FB2]  }
0x3d: {  	_ =	shalt  }
0x3e: {  	_ =	shalt  }
0x3f: {  	_ =	shalt  }
0x40: {  	_ =	shalt  }
0x41: {  	_ =	shalt  }
0x42: {  	_ =	shalt  }
0x43: {  	_ =	shalt  }
0x44: {  	_ =	shalt  }
0x45: {  	_ =	shalt  }
0x46: {  	_ =	shalt  }
0x47: {  	_ =	shalt  }
0x48: {  	_ =	shalt  }
0x49: {  	_ =	shalt  }
0x4a: {  	_ =	shalt  }
0x4b: {  	_ =	shalt  }
0x4c: {  	_ =	shalt  }
0x4d: {  	_ =	shalt  }
0x4e: {  	_ =	shalt  }
0x4f: {  	_ =	shalt  }
0x50: {  	_ =	shalt  }
0x51: {  	_ =	shalt  }
0x52: {  	_ =	shalt  }
0x53: {  	_ =	shalt  }
0x54: {  	_ =	shalt  }
0x55: {  	_ =	shalt  }
0x56: {  	_ =	shalt  }
0x57: {  	_ =	shalt  }
0x58: {  	_ =	shalt  }
0x59: {  	_ =	shalt  }
0x5a: {  	_ =	shalt  }
0x5b: {  	_ =	shalt  }
0x5c: {  	_ =	shalt  }
0x5d: {  	_ =	shalt  }
0x5e: {  	_ =	shalt  }
0x5f: {  	_ =	shalt  }
0x60: {  	_ =	shalt  }
0x61: {  	_ =	shalt  }
0x62: {  	_ =	shalt  }
0x63: {  	_ =	shalt  }
0x64: {  	_ =	shalt  }
0x65: {  	_ =	shalt  }
0x66: {  	_ =	shalt  }
0x67: {  	_ =	shalt  }
0x68: {  	_ =	shalt  }
0x69: {  	_ =	shalt  }
0x6a: {  	_ =	shalt  }
0x6b: {  	_ =	shalt  }
0x6c: {  	_ =	shalt  }
0x6d: {  	_ =	shalt  }
0x6e: {  	_ =	shalt  }
0x6f: {  	_ =	shalt  }
0x70: {  	_ =	shalt  }
0x71: {  	_ =	shalt  }
0x72: {  	_ =	shalt  }
0x73: {  	_ =	shalt  }
0x74: {  	_ =	shalt  }
0x75: {  	_ =	shalt  }
0x76: {  	_ =	shalt  }
0x77: {  	_ =	shalt  }
0x78: {  	_ =	shalt  }
0x79: {  	_ =	shalt  }
0x7a: {  	_ =	shalt  }
0x7b: {  	_ =	shalt  }
0x7c: {  	_ =	shalt  }
0x7d: {  	_ =	shalt  }
0x7e: {  	_ =	shalt  }
0x7f: {  	_ =	shalt  }
0x80: {  	_ =	shalt  }
0x81: {  	_ =	shalt  }
0x82: {  	_ =	shalt  }
0x83: {  	_ =	shalt  }
0x84: {  	_ =	shalt  }
0x85: {  	_ =	shalt  }
0x86: {  	_ =	shalt  }
0x87: {  	_ =	shalt  }
.Lfunc_end0:
.L_simem_size_0:
called_computation_lowered:
.L_overlay_start_0:
0x88: {  	s2 =	sld [smem:$0x3FD9]  }
0x89: {  	s3 =	sld [smem:$0x3FFE];
	_ =	sdelay $0x1  }
0x8a: {  	s1 =	srdreg.scid  }
0x8b: {  	s0 =	sand.u32 $0x1, s1  }
0x8c: {  	s15 =	sshll.u32 s0, $0xA;
	s2 =	sadd.s32 s3, s2  }
0x8d: {  	s2 =	sadd.s32 s2, s15  }
0x8e: {  	[smem:$0x3FBE] =	sst s2  }
0x8f: {  	_ = 	snop  }
0x90: {  	s2 =	sld [smem:$0x3FD0];
	_ =	sdelay $0x2  }
0x91: {  	s16 =	simm.s32 $0xA;
	s4 =	simm.s32 $0x10  }
0x92: {  	[smem:s4], [sflag:s16] =	dma.local [hbm:s2], $0x1  }
0x93: {  	_ =	swait.eq [sflag:s16], $0x1  }
0x94: {  	[sflag:s16] =	ssyncset.done $0x0  }
0x95: {  	s17 =	sld [smem:$0x10];
	[sflag:s16] =	ssyncadd.s32 $0xFFFFFFFF  }
0x96: {  	s18 =	sld [smem:$0x11];
	(tm) =	ssettm $0x1  }
0x97: {  	s19 =	sld [smem:$0x3FFB];
	_ =	sdelay $0x3  }
0x98: {  	_ =	strace s19  }
0x99: {  	s4 =	sld [smem:$0x3FFC];
	_ =	sdelay $0x3  }
0x9a: {  	_ =	strace s4  }
0x9b: {  	s4 =	sld [smem:$0x3FFD];
	_ =	sdelay $0x3  }
0x9c: {  	_ =	strace s4  }
0x9d: {  	_ =	strace $0x8FFFFFFF  }
0x9e: {  	s20 =	sld [smem:$0x3FDB];
	_ =	sdelay $0x1  }
0x9f: {  	s5 =	simm.s32 $_scs_section_size  }
0xa0: {  	s6 =	simm.s32 $_size__tile_overlayer_lowered;
	s7 =	simm.s32 $_tile_overlayer_lowered  }
0xa1: {  	s23 =	simm.s32 $0x1BFF;
	s22 =	sshll.u32 s7, $0x1;
	s4 =	sadd.s32 s5, s20  }
0xa2: {  	s8 =	simm.s32 $0x0;
	s21 =	sshll.u32 s6, $0x1;
	s6 =	sadd.s32 s22, s4  }
0xa3: {  	[timem:s8], [sflag:s23] =	dma.local [hbm:s6], s21  }
0xa4: {  	_ =	swait.ge [sflag:s23], s21  }
0xa5: {  	s5 =	ssub.s32 $0x0, s21;
	[sflag:s23] =	ssyncset.done $0x0  }
0xa6: {  	[sflag:s23] =	ssyncadd.s32 s5;
	_ =	sdelay $0x1  }
0xa7: {  	s24 =	simm.s32 $0x1B8B  }
0xa8: {  	_ =	swait.ge [sflag:s24], $0x1  }
0xa9: {  	[sflag:s24] =	ssyncset.done $0x0  }
0xaa: {  	s25 =	simm.s32 $0x1B8E;
	[sflag:s24] =	ssyncadd.s32 $0xFFFFFFFF  }
0xab: {  	s26 =	simm.s32 $execute0_lowered;
	[smem:$0x3FD2] =	sst s25  }
0xac: {  	s5 =	sshll.u32 s26, $0x1;
	_ =	strace $0x80000046;
	[dreg:$0x1] =	wrdreg $0xFFFFFFFF  }
0xad: {  	s28 =	simm.s32 $_size_execute0_lowered;
	s4 =	sadd.s32 s4, s5;
	[dreg:$0x0] =	wrdreg $0x0  }
0xae: {  	s5 =	sshll.u32 s28, $0x1;
	[dreg:$0x2] =	wrdreg s4  }
0xaf: {  	[dreg:$0x3] =	wrdreg s5  }
0xb0: {  	[dreg:$0x4] =	wrdreg $0xC0  }
0xb1: {  	_ =	task [dreg:s8], $0x5FFFF  }
0xb2: {  	[dreg:$0x1] =	wrdreg $0xFFFFFFFF  }
0xb3: {  	[dreg:$0x0] =	wrdreg $0x60  }
0xb4: {  	[dreg:$0x2] =	wrdreg s18  }
0xb5: {  	[dreg:$0x3] =	wrdreg s17  }
0xb6: {  	[dreg:$0x4] =	wrdreg $0x9  }
0xb7: {  	_ =	task.clear_ibuf [dreg:s8], $0x5FFFF;
	_ =	strace $0x90000046  }
0xb8: {  	s29 =	simm.s32 $0x9;
	_ =	strace $0x80000048  }
0xb9: {  	_ =	swait.ge [sflag:s29], $0x1  }
0xba: {  	[sflag:s29] =	ssyncadd.s32 $0xFFFFFFFF  }
0xbb: {  	_ =	strace $0x90000048  }
0xbc: {  	_ =	sfence  }
0xbd: {  	s30 =	sld [smem:$0x0];
	_ =	sdelay $0x2  }
0xbe: {  	s31 =	sshll.u32 s1, $0xD;
	s1 =	sshrl.u32 s1, $0x2  }
0xbf: {  	s3 =	sand.u32 $0x4000, s31;
	s1 =	sadd.s32 s1, s30  }
0xc0: {  	s0 =	sor.u32 s3, s0;
	s1 =	sshll.u32 s1, $0x11  }
0xc1: {  	s0 =	sor.u32 s1, s0  }
0xc2: {  	s0 =	sadd.s32 $0x8F2B, s0  }
0xc3: {  	[sflag:s0] =	ssyncadd.remote.s32 $0x1  }
0xc4: {  	_ =	sfence.sel $0xFFFF  }
0xc5: {  	[dreg:$0x0] =	wrdreg $0xFFFFFFFF;
	(pc) =	sbr.abs _section_cstart, $3  }
0xc6: {  	[dreg:$0x1] =	wrdreg $0xFFFFFFFF  }
0xc7: {  	_ =	task.clear_ibuf [dreg:s8], $0x2FFFF;
	_ =	strace $0x9FFFFFFF  }
0xc8: {  	(tm) =	ssettm $0x7FFFFFFF  }
0xc9: {  	_ =	shalt  }
tec
execute0_lowered:
.L_overlay_start_1:
0x0: {  	(tag) =	ssettag $0x1  }
0x1: {  	s1 =	rddreg [dreg:$0x0]  }
0x2: {  	s5 =	rddreg [dreg:$0x1];
	s2 =	simm.s32 $0x0  }
0x3: {  	[smem:$0x7FF] =	sst s2  }
0x4: {  	s0 =	rddreg [dreg:$0x2];
	v0 =	vimm.f32 $-2.000000000e+00;
	_ =	strace $0x80000047  }
0x5: {  	(xrf0) =	vmax.scan.msk.f32 $0xffff, v0  }
0x6: {  	s4 =	srdreg.scid;
	s3 =	stileid.u32;
	s9 =	simm.s32 $0x9000  }
.Ltmp0:
0x7: {  	s10 =	simm.s32 $0xA000;
	s4 =	sand.u32 $0x1, s4;
	(pc) =	sbr.rel .LBB2_1-.Ltmp0, $4  }
0x8: {  	s6 =	sshll.u32 s3, $0x8;
	s7 =	sshll.u32 s4, $0x7;
	s8 =	ssub.s32 $0x2, s4  }
0x9: {  	s11 =	simm.s32 $0x0;
	s4 =	sor.u32 s7, s6;
	s31 =	sshrl.u32 s8, $0x1  }
0xa: {  	s7 =	sshrl.u32 s4, $0x3;
	s6 =	ssub.s32 s8, s31;
	s8 =	simm.s32 $0x8000  }
0xb: {  	v2 =	vimm.s32 $0x0;
	v3 =	vlaneseq.u32;
	v4 =	vimm.s32 $0x1;
	s5 =	sadd.s32 s5, s7;
	s6 =	smax.u32 s6, $0x1;
	s7 =	simm.s32 $0x1;
	v1, _, _ =	vpop (xrf0)  }
.LBB2_33:
0xc: {  	s11 =	sadd.s32 $0x1, s11  }
0xd: {  	p0 =	sne.s32 s11, s6  }
.Ltmp1:
0xe: {  	_ = 	snop;
	(pc) =	sbr.rel @!p0 .LBB2_34-.Ltmp1, $4  }
0xf: {  	[hbm4b:s5+s2] =	stream.linear.scatter [tilespmem:s10], [sflag:$0x1], $0x80, $0x38;
	[tilespmem:$0xA080] =	vst v63  }
0x10: {  	_ =	swait.ge [sflag:s7], $0x80  }
0x11: {  	[sflag:s7] =	ssyncset.done $0x0  }
0x12: {  	[sflag:s7] =	ssyncadd.s32 $0xFFFFFF80  }
.LBB2_1:
.Ltmp2:
0x13: {  	(pc) =	sbr.rel .LBB2_2-.Ltmp2, $2  }
0x14: {  	_ =	sdelay $0x2  }
0x15: {  	s12 =	simm.s32 $0x0  }
.LBB2_32:
0x16: {  	s12 =	sadd.s32 $0x1, s12  }
0x17: {  	p0 =	sne.s32 s12, $0x10  }
.Ltmp3:
0x18: {  	_ = 	snop;
	(pc) =	sbr.rel @!p0 .LBB2_33-.Ltmp3, $1  }
0x19: {  	_ =	sdelay $0x3  }
.LBB2_2:
0x1a: {  	s13 =	sshll.u32 s12, $0x3  }
0x1b: {  	s14 =	sadd.s32 s4, s13  }
0x1c: {  	s14 =	sshll.u32 s14, $0x9  }
.Ltmp4:
0x1d: {  	s15 =	sadd.s32 s1, s14;
	s14 =	simm.s32 $0x0;
	(pc) =	sbr.rel .LBB2_3-.Ltmp4, $4  }
0x1e: {  	[tilespmem:s14], [sflag:$0x1] =	stream.linear.gather [hbm4b:s15+s14], $0x8000, $0x38;
	[tilespmem:$0xA080] =	vst v63  }
0x1f: {  	_ =	swait.ge [sflag:s7], $0x8000  }
0x20: {  	[sflag:s7] =	ssyncset.done $0x0  }
0x21: {  	s15 =	simm.s32 $0x40;
	[sflag:s7] =	ssyncadd.s32 $0xFFFF8000  }
.LBB2_30:
0x22: {  	(v2sf) =	vpush v6, $0xF;
	_ =	sdelay $0xe  }
0x23: {  	s16 =	spop (v2sf)  }
.LBB2_31:
0x24: {  	s17 =	sor.u32 s13, s14;
	s14 =	sadd.s32 $0x1, s14  }
0x25: {  	v5 =	vmov s17;
	p0 =	sne.s32 s14, $0x8  }
.Ltmp5:
0x26: {  	_ = 	snop;
	(pc) =	sbr.rel @!p0 .LBB2_32-.Ltmp5, $3  }
0x27: {  	_ =	sdelay $0x1  }
0x28: {  	v6 =	vmov s16  }
0x29: {  	s15 =	sadd.s32 $0x80, s15;
	[tilespmem:v5+s10+$0x0] =	vst.idx.msk $0x1, v6  }
.LBB2_3:
0x2a: {  	s17 =	simm.s32 $0x0;
	s16 =	simm.s32 $0x200  }
.LBB2_4:
0x2b: {  	p0 =	sne.s32 s16, $0x3E00;
	[tilespmem:s17+$0x8070] =	vst v2  }
0x2c: {  	[tilespmem:s17+$0x8000] =	vst v2  }
0x2d: {  	[tilespmem:s17+$0x8010] =	vst v2  }
.Ltmp6:
0x2e: {  	[tilespmem:s17+$0x8020] =	vst v2;
	(pc) =	sbr.rel @p0 .LBB2_4-.Ltmp6, $4  }
0x2f: {  	[tilespmem:s17+$0x8030] =	vst v2  }
0x30: {  	[tilespmem:s17+$0x8040] =	vst v2  }
0x31: {  	[tilespmem:s17+$0x8050] =	vst v2  }
0x32: {  	[tilespmem:s17+$0x8060] =	vst v2;
	s17 =	sshra.s32 s16, $0x2;
	s16 =	sadd.s32 $0x200, s16  }
0x33: {  	[tilespmem:s17+$0x8070] =	vst v2  }
0x34: {  	[tilespmem:s17+$0x8000] =	vst v2  }
0x35: {  	[tilespmem:s17+$0x8010] =	vst v2  }
0x36: {  	[tilespmem:s17+$0x8020] =	vst v2  }
0x37: {  	[tilespmem:s17+$0x8030] =	vst v2  }
0x38: {  	[tilespmem:s17+$0x8040] =	vst v2  }
0x39: {  	[tilespmem:s17+$0x8050] =	vst v2  }
0x3a: {  	s16 =	simm.s32 $0x0;
	[tilespmem:s17+$0x8060] =	vst v2;
	s17 =	simm.s32 $0x0  }
.LBB2_6:
0x3b: {  	s18 =	sshra.s32 s17, $0x2  }
0x3c: {  	s18 =	sadd.s32 s18, s15  }
0x3d: {  	v5 =	vld [tilespmem:s18+$0xFFFFFFC0];
	_ =	sdelay $0x4  }
0x3e: {  	v5 =	vmul.f32 $1.280000000e+02, v5;
	_ =	sdelay $0x1  }
0x3f: {  	v5 =	vadd.f32 $1.280000000e+02, v5;
	_ =	sdelay $0x1  }
0x40: {  	v5 =	vtrunc.f32 v5  }
0x41: {  	v5 =	vcvt.f32.s32 v5;
	_ =	sdelay $0x1  }
0x42: {  	vm0 =	vgt.s32 v5, $0x0  }
0x43: {  	v5 =	vnsel vm0, $0x0, v5  }
0x44: {  	v5 =	vmin.u32 v5, $0xFF  }
0x45: {  	v5 =	vshll.u32 v5, $0x4  }
0x46: {  	v5 =	vor.u32 v3, v5;
	_ =	sdelay $0x4  }
0x47: {  	[tilespmem:v5+s8+$0x0] =	vst.idx.add.s32.msk $0xffff, v4  }
0x48: {  	v5 =	vld [tilespmem:s18+$0xFFFFFFD0];
	_ =	sdelay $0x4  }
0x49: {  	v5 =	vmul.f32 $1.280000000e+02, v5;
	_ =	sdelay $0x1  }
0x4a: {  	v5 =	vadd.f32 $1.280000000e+02, v5;
	_ =	sdelay $0x1  }
0x4b: {  	v5 =	vtrunc.f32 v5  }
0x4c: {  	v5 =	vcvt.f32.s32 v5;
	_ =	sdelay $0x1  }
0x4d: {  	vm9 =	vgt.s32 v5, $0x0  }
0x4e: {  	v5 =	vnsel vm9, $0x0, v5  }
0x4f: {  	v5 =	vmin.u32 v5, $0xFF  }
0x50: {  	v5 =	vshll.u32 v5, $0x4  }
0x51: {  	v5 =	vor.u32 v3, v5;
	_ =	sdelay $0x4  }
0x52: {  	[tilespmem:v5+s8+$0x0] =	vst.idx.add.s32.msk $0xffff, v4  }
0x53: {  	v5 =	vld [tilespmem:s18+$0xFFFFFFE0];
	_ =	sdelay $0x4  }
0x54: {  	v5 =	vmul.f32 $1.280000000e+02, v5;
	_ =	sdelay $0x1  }
0x55: {  	v5 =	vadd.f32 $1.280000000e+02, v5;
	_ =	sdelay $0x1  }
0x56: {  	v5 =	vtrunc.f32 v5  }
0x57: {  	v5 =	vcvt.f32.s32 v5;
	_ =	sdelay $0x1  }
0x58: {  	vm10 =	vgt.s32 v5, $0x0  }
0x59: {  	v5 =	vnsel vm10, $0x0, v5  }
0x5a: {  	v5 =	vmin.u32 v5, $0xFF  }
0x5b: {  	v5 =	vshll.u32 v5, $0x4  }
0x5c: {  	v5 =	vor.u32 v3, v5;
	_ =	sdelay $0x4  }
0x5d: {  	[tilespmem:v5+s8+$0x0] =	vst.idx.add.s32.msk $0xffff, v4  }
0x5e: {  	v5 =	vld [tilespmem:s18+$0xFFFFFFF0];
	_ =	sdelay $0x4  }
0x5f: {  	v5 =	vmul.f32 $1.280000000e+02, v5;
	_ =	sdelay $0x1  }
0x60: {  	v5 =	vadd.f32 $1.280000000e+02, v5;
	_ =	sdelay $0x1  }
0x61: {  	v5 =	vtrunc.f32 v5  }
0x62: {  	v5 =	vcvt.f32.s32 v5;
	_ =	sdelay $0x1  }
0x63: {  	vm11 =	vgt.s32 v5, $0x0  }
0x64: {  	v5 =	vnsel vm11, $0x0, v5  }
0x65: {  	v5 =	vmin.u32 v5, $0xFF  }
0x66: {  	v5 =	vshll.u32 v5, $0x4  }
0x67: {  	v5 =	vor.u32 v3, v5;
	_ =	sdelay $0x4  }
0x68: {  	[tilespmem:v5+s8+$0x0] =	vst.idx.add.s32.msk $0xffff, v4  }
0x69: {  	v5 =	vld [tilespmem:s18+$0x0];
	_ =	sdelay $0x4  }
0x6a: {  	v5 =	vmul.f32 $1.280000000e+02, v5;
	_ =	sdelay $0x1  }
0x6b: {  	v5 =	vadd.f32 $1.280000000e+02, v5;
	_ =	sdelay $0x1  }
0x6c: {  	v5 =	vtrunc.f32 v5  }
0x6d: {  	v5 =	vcvt.f32.s32 v5;
	_ =	sdelay $0x1  }
0x6e: {  	vm12 =	vgt.s32 v5, $0x0  }
0x6f: {  	v5 =	vnsel vm12, $0x0, v5  }
0x70: {  	v5 =	vmin.u32 v5, $0xFF  }
0x71: {  	v5 =	vshll.u32 v5, $0x4  }
0x72: {  	v5 =	vor.u32 v3, v5;
	_ =	sdelay $0x4  }
0x73: {  	[tilespmem:v5+s8+$0x0] =	vst.idx.add.s32.msk $0xffff, v4  }
0x74: {  	v5 =	vld [tilespmem:s18+$0x10];
	_ =	sdelay $0x4  }
0x75: {  	v5 =	vmul.f32 $1.280000000e+02, v5;
	_ =	sdelay $0x1  }
0x76: {  	v5 =	vadd.f32 $1.280000000e+02, v5;
	_ =	sdelay $0x1  }
0x77: {  	v5 =	vtrunc.f32 v5  }
0x78: {  	v5 =	vcvt.f32.s32 v5;
	_ =	sdelay $0x1  }
0x79: {  	vm13 =	vgt.s32 v5, $0x0  }
0x7a: {  	v5 =	vnsel vm13, $0x0, v5  }
0x7b: {  	v5 =	vmin.u32 v5, $0xFF  }
0x7c: {  	v5 =	vshll.u32 v5, $0x4  }
0x7d: {  	v5 =	vor.u32 v3, v5;
	_ =	sdelay $0x4  }
0x7e: {  	[tilespmem:v5+s8+$0x0] =	vst.idx.add.s32.msk $0xffff, v4  }
0x7f: {  	v5 =	vld [tilespmem:s18+$0x20];
	_ =	sdelay $0x4  }
0x80: {  	v5 =	vmul.f32 $1.280000000e+02, v5;
	_ =	sdelay $0x1  }
0x81: {  	v5 =	vadd.f32 $1.280000000e+02, v5;
	_ =	sdelay $0x1  }
0x82: {  	v5 =	vtrunc.f32 v5  }
0x83: {  	v5 =	vcvt.f32.s32 v5;
	_ =	sdelay $0x1  }
0x84: {  	vm14 =	vgt.s32 v5, $0x0  }
0x85: {  	v5 =	vnsel vm14, $0x0, v5  }
0x86: {  	v5 =	vmin.u32 v5, $0xFF  }
0x87: {  	v5 =	vshll.u32 v5, $0x4  }
0x88: {  	v5 =	vor.u32 v3, v5;
	_ =	sdelay $0x4  }
0x89: {  	[tilespmem:v5+s8+$0x0] =	vst.idx.add.s32.msk $0xffff, v4  }
0x8a: {  	v5 =	vld [tilespmem:s18+$0x30];
	_ =	sdelay $0x4  }
0x8b: {  	v5 =	vmul.f32 $1.280000000e+02, v5;
	_ =	sdelay $0x1  }
0x8c: {  	v5 =	vadd.f32 $1.280000000e+02, v5;
	_ =	sdelay $0x1  }
0x8d: {  	v5 =	vtrunc.f32 v5  }
0x8e: {  	v5 =	vcvt.f32.s32 v5;
	_ =	sdelay $0x1  }
0x8f: {  	vm15 =	vgt.s32 v5, $0x0  }
0x90: {  	v5 =	vnsel vm15, $0x0, v5  }
0x91: {  	v5 =	vmin.u32 v5, $0xFF  }
0x92: {  	v5 =	vshll.u32 v5, $0x4  }
0x93: {  	p0 =	seq.s32 s17, $0x1F000;
	v5 =	vor.u32 v3, v5  }
.Ltmp7:
0x94: {  	_ = 	snop;
	(pc) =	sbr.rel @!p0 .LBB2_6-.Ltmp7, $2  }
0x95: {  	_ =	sdelay $0x2  }
0x96: {  	s17 =	sadd.s32 $0x1000, s17;
	[tilespmem:v5+s8+$0x0] =	vst.idx.add.s32.msk $0xffff, v4  }
0x97: {  	s17 =	simm.s32 $0x8FF0  }
0x98: {  	v5 =	vld [tilespmem:s17+$0xFFFFFF10]  }
0x99: {  	v6 =	vld [tilespmem:s17+$0xFFFFFF20]  }
0x9a: {  	v7 =	vld [tilespmem:s17+$0xFFFFFF30]  }
0x9b: {  	v8 =	vld [tilespmem:s17+$0xFFFFFF40]  }
0x9c: {  	v9 =	vld [tilespmem:s17+$0xFFFFFF50]  }
0x9d: {  	v10 =	vld [tilespmem:s17+$0xFFFFFF60]  }
0x9e: {  	v11 =	vld [tilespmem:s17+$0xFFFFFF70]  }
0x9f: {  	v12 =	vld [tilespmem:s17+$0xFFFFFF80]  }
0xa0: {  	v13 =	vld [tilespmem:s17+$0xFFFFFF90];
	v5 =	vadd.s32 v5, v6  }
0xa1: {  	v14 =	vld [tilespmem:s17+$0xFFFFFFA0];
	v5 =	vadd.s32 v7, v5  }
0xa2: {  	s31 =	simm.s32 $0x8EF0;
	v15 =	vld [tilespmem:s17+$0xFFFFFFB0];
	v5 =	vadd.s32 v8, v5  }
0xa3: {  	v59 =	vld [tilespmem:s31+$0xFFFFFF20];
	v5 =	vadd.s32 v9, v5  }
0xa4: {  	v6 =	vld [tilespmem:s17+$0xFFFFFFC0];
	v5 =	vadd.s32 v10, v5  }
0xa5: {  	v7 =	vld [tilespmem:s17+$0xFFFFFFD0];
	v5 =	vadd.s32 v11, v5  }
0xa6: {  	v8 =	vld [tilespmem:s17+$0xFFFFFFE0];
	v5 =	vadd.s32 v12, v5  }
0xa7: {  	v9 =	vld [tilespmem:s17+$0xFFFFFFF0];
	v5 =	vadd.s32 v13, v5  }
0xa8: {  	v10 =	vld [tilespmem:s17+$0x0];
	v5 =	vadd.s32 v14, v5  }
0xa9: {  	v11 =	vld [tilespmem:s31+$0xFFFFFF10];
	v5 =	vadd.s32 v15, v5  }
0xaa: {  	v60 =	vld [tilespmem:s31+$0xFFFFFF30];
	v5 =	vadd.s32 v6, v5  }
0xab: {  	v61 =	vld [tilespmem:s31+$0xFFFFFF40];
	v5 =	vadd.s32 v7, v5  }
0xac: {  	v62 =	vld [tilespmem:s31+$0xFFFFFF50];
	v5 =	vadd.s32 v8, v5  }
0xad: {  	v6 =	vld [tilespmem:s31+$0xFFFFFF60];
	v5 =	vadd.s32 v9, v5  }
0xae: {  	v7 =	vadd.s32 v11, v59;
	v11 =	vld [tilespmem:s31+$0xFFFFFF70];
	v5 =	vadd.s32 v10, v5  }
0xaf: {  	v7 =	vadd.s32 v60, v7;
	v8 =	vld [tilespmem:s31+$0xFFFFFF80];
	(xrf0) =	vadd.scan.msk.s32 $0xffff, v5  }
0xb0: {  	v7 =	vadd.s32 v61, v7;
	v9 =	vld [tilespmem:s31+$0xFFFFFF90]  }
0xb1: {  	v7 =	vadd.s32 v62, v7  }
0xb2: {  	v5 =	vadd.s32 v6, v7  }
0xb3: {  	v10 =	vld [tilespmem:s31+$0xFFFFFFA0];
	v5 =	vadd.s32 v11, v5  }
0xb4: {  	v6 =	vld [tilespmem:s31+$0xFFFFFFB0];
	v5 =	vadd.s32 v8, v5  }
0xb5: {  	v11 =	vld [tilespmem:s31+$0xFFFFFFC0];
	v5 =	vadd.s32 v9, v5;
	v9, _, _ =	vpop (xrf0)  }
0xb6: {  	v63 =	vld [tilespmem:s31+$0xFFFFFFD0];
	(v2sf) =	vpush v9, $0xF  }
0xb7: {  	v7 =	vld [tilespmem:s31+$0xFFFFFFE0]  }
0xb8: {  	v8 =	vadd.s32 v10, v5;
	v5 =	vld [tilespmem:s31+$0xFFFFFFF0]  }
0xb9: {  	s18 =	simm.s32 $0xF;
	s19 =	simm.s32 $0xE;
	s24 =	simm.s32 $0x8DF0;
	v8 =	vadd.s32 v6, v8;
	v6 =	vld [tilespmem:s31+$0x0]  }
0xba: {  	s21 =	simm.s32 $0xD;
	s25 =	simm.s32 $0xC;
	s23 =	simm.s32 $0x0;
	v10 =	vadd.s32 v11, v8;
	v8 =	vld [tilespmem:s24+$0xFFFFFF10]  }
0xbb: {  	s20 =	simm.s32 $0x0;
	s22 =	simm.s32 $0x0;
	s17 =	simm.s32 $0x0;
	v9 =	vld [tilespmem:s24+$0xFFFFFF20];
	v10 =	vadd.s32 v63, v10  }
.LBB2_8:
0xbc: {  	p0 =	seq.s32 s25, $0x0;
	v11 =	vld [tilespmem:s24+$0xFFFFFF30];
	v7 =	vadd.s32 v7, v10;
	s26 =	smov.u32 s19;
	s19 =	smov.u32 s21  }
0xbd: {  	s21 =	smov.u32 s25;
	v10 =	vld [tilespmem:s24+$0xFFFFFF40];
	v5 =	vadd.s32 v5, v7  }
0xbe: {  	v7 =	vld [tilespmem:s24+$0xFFFFFF50];
	v5 =	vadd.s32 v6, v5  }
0xbf: {  	v6 =	vld [tilespmem:s24+$0xFFFFFF60];
	(xrf0) =	vadd.scan.msk.s32 $0xffff, v5  }
0xc0: {  	v5 =	vadd.s32 v8, v9;
	v8 =	vld [tilespmem:s24+$0xFFFFFF70]  }
0xc1: {  	v5 =	vadd.s32 v11, v5;
	v9 =	vld [tilespmem:s24+$0xFFFFFF80]  }
0xc2: {  	v5 =	vadd.s32 v10, v5;
	v10 =	vld [tilespmem:s24+$0xFFFFFF90]  }
0xc3: {  	v5 =	vadd.s32 v7, v5;
	v11 =	vld [tilespmem:s24+$0xFFFFFFA0]  }
0xc4: {  	v5 =	vadd.s32 v6, v5;
	v6 =	vld [tilespmem:s24+$0xFFFFFFB0]  }
0xc5: {  	v5 =	vadd.s32 v8, v5;
	v12 =	vld [tilespmem:s24+$0xFFFFFFC0];
	v7, _, _ =	vpop (xrf0);
	s28 =	spop (v2sf)  }
0xc6: {  	v5 =	vadd.s32 v9, v5;
	v13 =	vld [tilespmem:s24+$0xFFFFFFD0];
	(v2sf) =	vpush v7, $0xF;
	s23 =	sadd.s32 s23, s28  }
.Ltmp8:
0xc7: {  	p1 =	seq.s32 s16, $0x0;
	v5 =	vadd.s32 v10, v5;
	v7 =	vld [tilespmem:s24+$0xFFFFFFE0];
	p2 =	sgt.s32 s23, $0x1E;
	(pc) =	sbr.rel @!p0 .LBB2_8-.Ltmp8, $4  }
0xc8: {  	v8 =	vadd.s32 v11, v5;
	v5 =	vld [tilespmem:s24+$0xFFFFFFF0];
	p1 =	por !p1, !p2  }
0xc9: {  	v9 =	vadd.s32 v6, v8;
	v6 =	vld [tilespmem:s24+$0x0];
	s24 =	sadd.s32 $0xFFFFFF00, s24;
	p1 =	por !p1, !p1  }
0xca: {  	v8 =	vld [tilespmem:s24+$0xFFFFFF10];
	v10 =	vadd.s32 v12, v9;
	s16 =	simm.s32 @p1 $0x1;
	s20 =	smov.u32 @p1 s18;
	s18 =	smov.u32 s26  }
0xcb: {  	s25 =	sadd.s32 $0xFFFFFFFF, s25;
	s17 =	smov.u32 @p1 s22;
	s22 =	smov.u32 s23;
	v9 =	vld [tilespmem:s24+$0xFFFFFF20];
	v10 =	vadd.s32 v13, v10  }
0xcc: {  	v11 =	vld [tilespmem:s24+$0xFFFFFF30]  }
0xcd: {  	v12 =	vld [tilespmem:s24+$0xFFFFFF40]  }
0xce: {  	v13 =	vld [tilespmem:s24+$0xFFFFFF50]  }
0xcf: {  	v14 =	vld [tilespmem:s24+$0xFFFFFF60]  }
0xd0: {  	v55 =	vld [tilespmem:s24+$0xFFFFFF70];
	v8 =	vadd.s32 v8, v9  }
0xd1: {  	v56 =	vld [tilespmem:s24+$0xFFFFFF80];
	v8 =	vadd.s32 v11, v8  }
0xd2: {  	v57 =	vld [tilespmem:s24+$0xFFFFFF90];
	v8 =	vadd.s32 v12, v8  }
0xd3: {  	v58 =	vld [tilespmem:s24+$0xFFFFFFA0];
	v8 =	vadd.s32 v13, v8  }
0xd4: {  	v59 =	vld [tilespmem:s24+$0xFFFFFFB0];
	v8 =	vadd.s32 v14, v8  }
0xd5: {  	v60 =	vld [tilespmem:s24+$0xFFFFFFC0];
	v8 =	vadd.s32 v55, v8  }
0xd6: {  	v61 =	vld [tilespmem:s24+$0xFFFFFFD0];
	v8 =	vadd.s32 v56, v8  }
0xd7: {  	v62 =	vld [tilespmem:s24+$0xFFFFFFE0];
	v8 =	vadd.s32 v57, v8  }
0xd8: {  	v7 =	vadd.s32 v7, v10;
	v63 =	vld [tilespmem:s24+$0xFFFFFFF0];
	v8 =	vadd.s32 v58, v8  }
0xd9: {  	v5 =	vadd.s32 v5, v7;
	v7 =	vadd.s32 v59, v8;
	v8 =	vld [tilespmem:s24+$0x0]  }
0xda: {  	v5 =	vadd.s32 v6, v5;
	v6 =	vadd.s32 v60, v7  }
0xdb: {  	(xrf0) =	vadd.scan.msk.s32 $0xffff, v5;
	v5 =	vadd.s32 v61, v6  }
0xdc: {  	v5 =	vadd.s32 v62, v5  }
0xdd: {  	v5 =	vadd.s32 v63, v5  }
0xde: {  	v5 =	vadd.s32 v8, v5  }
0xdf: {  	(xrf0) =	vadd.scan.msk.s32 $0xffff, v5;
	_ =	sdelay $0x1  }
0xe0: {  	v5, _, _ =	vpop (xrf0)  }
0xe1: {  	(v2sf) =	vpush v5, $0xF;
	_ =	sdelay $0x2  }
0xe2: {  	v5, _, _ =	vpop (xrf0)  }
0xe3: {  	(v2sf) =	vpush v5, $0xF;
	_ =	sdelay $0x6  }
0xe4: {  	s30 =	spop (v2sf)  }
0xe5: {  	s23 =	sadd.s32 s23, s30  }
0xe6: {  	p0 =	seq.s32 s16, $0x0;
	p1 =	sgt.s32 s23, $0x1E  }
0xe7: {  	p0 =	por !p0, !p1  }
0xe8: {  	p0 =	por !p0, !p0;
	s31 =	spop (v2sf)  }
0xe9: {  	s16 =	simm.s32 @p0 $0x1;
	s24 =	sadd.s32 s23, s31  }
0xea: {  	p5 =	seq.s32 s16, $0x0;
	p2 =	sgt.s32 s24, $0x1E  }
0xeb: {  	p1 =	por !p5, !p2  }
0xec: {  	p1 =	por !p1, !p1;
	s25 =	spop (v2sf)  }
0xed: {  	s16 =	simm.s32 @p1 $0x1;
	s25 =	sadd.s32 s24, s25  }
0xee: {  	p6 =	seq.s32 s16, $0x0;
	p3 =	sgt.s32 s25, $0x1E  }
0xef: {  	s20 =	smov.u32 @p0 s18;
	p4 =	por !p6, !p3  }
0xf0: {  	s17 =	smov.u32 @p0 s22;
	s20 =	smov.u32 @p1 s19;
	p0 =	por !p4, !p4  }
0xf1: {  	s20 =	smov.u32 @p0 s21  }
0xf2: {  	s22 =	sshll.u32 s20, $0xA  }
0xf3: {  	s16 =	sshra.s32 s22, $0x2  }
0xf4: {  	s17 =	smov.u32 @p1 s23;
	s23 =	sadd.s32 $0x8000, s16  }
0xf5: {  	v5 =	vmov s23;
	_ =	sdelay $0x3  }
0xf6: {  	s17 =	smov.u32 @p0 s24;
	s24 =	simm.s32 $0xF0  }
0xf7: {  	v6 =	vld.idx.msk [tilespmem:v5+s24+$0x0 ss:$0x1], $0xffff;
	_ =	sdelay $0x4  }
0xf8: {  	(xrf0) =	vadd.scan.msk.s32 $0xffff, v6;
	_ =	sdelay $0x5  }
0xf9: {  	s25 =	simm.s32 $0xE0;
	v6, _, _ =	vpop (xrf0)  }
0xfa: {  	(v2sf) =	vpush v6, $0xF;
	v6 =	vld.idx.msk [tilespmem:v5+s25+$0x0 ss:$0x1], $0xffff;
	_ =	sdelay $0x2  }
0xfb: {  	s26 =	simm.s32 $0xD0  }
0xfc: {  	s28 =	simm.s32 $0xC0;
	v7 =	vld.idx.msk [tilespmem:v5+s26+$0x0 ss:$0x1], $0xffff  }
0xfd: {  	v8 =	vld.idx.msk [tilespmem:v5+s28+$0x0 ss:$0x1], $0xffff;
	(xrf0) =	vadd.scan.msk.s32 $0xffff, v6;
	_ =	sdelay $0x3  }
0xfe: {  	(xrf0) =	vadd.scan.msk.s32 $0xffff, v7  }
0xff: {  	(xrf0) =	vadd.scan.msk.s32 $0xffff, v8  }
0x100: {  	v7, _, _ =	vpop (xrf0)  }
0x101: {  	(v2sf) =	vpush v7, $0xF;
	_ =	sdelay $0x2  }
0x102: {  	v7, _, _ =	vpop (xrf0)  }
0x103: {  	(v2sf) =	vpush v7, $0xF;
	v7, _, _ =	vpop (xrf0)  }
0x104: {  	s29 =	simm.s32 $0xB0;
	s30 =	spop (v2sf);
	(v2sf) =	vpush v7, $0xF  }
0x105: {  	v6 =	vld.idx.msk [tilespmem:v5+s29+$0x0 ss:$0x1], $0xffff;
	_ =	sdelay $0x2  }
0x106: {  	s31 =	simm.s32 $0xA0;
	s21 =	sadd.s32 s17, s30  }
0x107: {  	p5 =	por $0x1, $0x1;
	s19 =	simm.s32 $0x0;
	p6 =	sgt.s32 s21, $0x1E  }
0x108: {  	s18 =	sshllo.u32 s20, $0x4;
	s20 =	simm.s32 $0x0;
	(xrf0) =	vadd.scan.msk.s32 $0xffff, v6;
	p0 =	por !p5, !p6  }
0x109: {  	s16 =	simm.s32 $0x0;
	s23 =	simm.s32 $0x240;
	v6 =	vld.idx.msk [tilespmem:v5+s31+$0x0 ss:$0x1], $0xffff;
	p0 =	por !p0, !p0  }
0x10a: {  	s22 =	smov.u32 s21;
	s20 =	simm.s32 @p0 $0x1;
	s19 =	smov.u32 @p0 s18  }
.LBB2_10:
0x10b: {  	s24 =	sshra.s32 s23, $0x2  }
0x10c: {  	s25 =	spop (v2sf);
	s16 =	smov.u32 @p0 s17;
	p1 =	seq.s32 s23, $0x0  }
.Ltmp9:
0x10d: {  	s23 =	sadd.s32 $0xFFFFFFC0, s23;
	s21 =	sadd.s32 s21, s25;
	(pc) =	sbr.rel @!p1 .LBB2_10-.Ltmp9, $4  }
0x10e: {  	p0 =	seq.s32 s20, $0x0;
	s17 =	smov.u32 s22;
	(xrf0) =	vadd.scan.msk.s32 $0xffff, v6;
	v6 =	vld.idx.msk [tilespmem:v5+s24+$0x0 ss:$0x1], $0xffff;
	v7, _, _ =	vpop (xrf0);
	p2 =	sgt.s32 s21, $0x1E  }
0x10f: {  	s22 =	smov.u32 s21;
	(v2sf) =	vpush v7, $0xF;
	p0 =	por !p0, !p2  }
0x110: {  	s18 =	sadd.s32 $0xFFFFFFFF, s18;
	p0 =	por !p0, !p0  }
0x111: {  	s20 =	simm.s32 @p0 $0x1;
	s19 =	smov.u32 @p0 s18  }
0x112: {  	_ = 	snop  }
0x113: {  	(xrf0) =	vadd.scan.msk.s32 $0xffff, v6;
	_ =	sdelay $0x1  }
0x114: {  	v5, _, _ =	vpop (xrf0)  }
0x115: {  	(v2sf) =	vpush v5, $0xF;
	_ =	sdelay $0x2  }
0x116: {  	s23 =	spop (v2sf);
	v5, _, _ =	vpop (xrf0)  }
0x117: {  	s21 =	sadd.s32 s21, s23;
	(v2sf) =	vpush v5, $0xF  }
0x118: {  	p1 =	seq.s32 s20, $0x0;
	p2 =	sgt.s32 s21, $0x1E  }
0x119: {  	p1 =	por !p1, !p2  }
0x11a: {  	s29 =	spop (v2sf);
	p2 =	por !p1, !p1  }
0x11b: {  	s23 =	sadd.s32 s21, s29;
	s20 =	simm.s32 @p2 $0x1  }
0x11c: {  	p3 =	sgt.s32 s23, $0x1E;
	p5 =	seq.s32 s20, $0x0  }
0x11d: {  	p1 =	por !p5, !p3  }
0x11e: {  	p1 =	por !p1, !p1;
	s24 =	spop (v2sf)  }
0x11f: {  	s20 =	simm.s32 @p1 $0x1;
	s24 =	sadd.s32 s23, s24  }
0x120: {  	p6 =	seq.s32 s20, $0x0;
	p4 =	sgt.s32 s24, $0x1E  }
0x121: {  	s16 =	smov.u32 @p0 s17;
	p4 =	por !p6, !p4  }
0x122: {  	s17 =	sadd.s32 $0xFFFFFFFF, s18;
	p0 =	por !p4, !p4;
	s30 =	spop (v2sf)  }
0x123: {  	s19 =	smov.u32 @p2 s17;
	s20 =	simm.s32 @p0 $0x1;
	s18 =	sadd.s32 s24, s30  }
0x124: {  	s17 =	sadd.s32 $0xFFFFFFFF, s17;
	p5 =	seq.s32 s20, $0x0;
	p6 =	sgt.s32 s18, $0x1E  }
0x125: {  	s16 =	smov.u32 @p2 s22;
	s19 =	smov.u32 @p1 s17;
	p3 =	por !p5, !p6  }
0x126: {  	s16 =	smov.u32 @p1 s21;
	p1 =	por !p3, !p3;
	s31 =	spop (v2sf)  }
0x127: {  	s17 =	sadd.s32 $0xFFFFFFFF, s17;
	s20 =	simm.s32 @p1 $0x1;
	s21 =	sadd.s32 s18, s31  }
0x128: {  	s19 =	smov.u32 @p0 s17;
	p4 =	seq.s32 s20, $0x0;
	p5 =	sgt.s32 s21, $0x1E  }
0x129: {  	v6 =	vmov s15;
	s17 =	sadd.s32 $0xFFFFFFFF, s17;
	s16 =	smov.u32 @p0 s23;
	p6 =	por !p4, !p5  }
0x12a: {  	s19 =	smov.u32 @p1 s17;
	s17 =	sadd.s32 $0xFFFFFFFF, s17;
	p0 =	por !p6, !p6  }
0x12b: {  	s16 =	smov.u32 @p1 s24;
	s19 =	smov.u32 @p0 s17  }
0x12c: {  	s16 =	smov.u32 @p0 s18;
	s17 =	simm.s32 $0x0;
	v5 =	vmov s19;
	s19 =	simm.s32 $0x0  }
.LBB2_12:
0x12d: {  	s18 =	sshra.s32 s17, $0x2  }
0x12e: {  	v7 =	vld.idx.msk [tilespmem:v6+s18+$0xFFFFFFC0 ss:$0x1], $0xffff;
	_ =	sdelay $0x4  }
0x12f: {  	v8 =	vmul.f32 $1.280000000e+02, v7;
	_ =	sdelay $0x1  }
0x130: {  	v8 =	vadd.f32 $1.280000000e+02, v8;
	_ =	sdelay $0x1  }
0x131: {  	v8 =	vtrunc.f32 v8  }
0x132: {  	v8 =	vcvt.f32.s32 v8;
	_ =	sdelay $0x1  }
0x133: {  	vm0 =	vgt.s32 v8, $0x0  }
0x134: {  	v8 =	vnsel vm0, $0x0, v8  }
0x135: {  	v8 =	vmin.u32 v8, $0xFF  }
0x136: {  	vm6 =	veq.s32 v8, v5  }
0x137: {  	v8 =	vsel vm6, $0x1, v2  }
0x138: {  	(xrf0) =	vadd.scan.msk.s32 $0xffff, v8;
	_ =	sdelay $0x2  }
0x139: {  	v8 =	vmov s19  }
0x13a: {  	v8 =	vadd.s32 $0xFFFFFFFF, v8  }
0x13b: {  	v8 =	vbroadcast v8, $0x0  }
0x13c: {  	v9, _, _ =	vpop (xrf0)  }
0x13d: {  	v8 =	vadd.s32 v9, v8  }
0x13e: {  	vm1 =	vgt.s32 v8, $0x0  }
0x13f: {  	v8 =	vnsel vm1, $0x0, v8;
	_ =	sdelay $0x4  }
0x140: {  	[tilespmem:v8+s9+$0x0] =	vst.idx.msk vm6, v7  }
0x141: {  	v7 =	vld.idx.msk [tilespmem:v6+s18+$0xFFFFFFD0 ss:$0x1], $0xffff;
	_ =	sdelay $0x2  }
0x142: {  	(v2sf) =	vpush v9, $0xF;
	_ =	sdelay $0x1  }
0x143: {  	v8 =	vmul.f32 $1.280000000e+02, v7;
	_ =	sdelay $0x1  }
0x144: {  	v8 =	vadd.f32 $1.280000000e+02, v8;
	_ =	sdelay $0x1  }
0x145: {  	v8 =	vtrunc.f32 v8  }
0x146: {  	v8 =	vcvt.f32.s32 v8;
	_ =	sdelay $0x1  }
0x147: {  	vm7 =	vgt.s32 v8, $0x0  }
0x148: {  	v8 =	vnsel vm7, $0x0, v8  }
0x149: {  	v8 =	vmin.u32 v8, $0xFF  }
0x14a: {  	vm8 =	veq.s32 v8, v5  }
0x14b: {  	v8 =	vsel vm8, $0x1, v2  }
0x14c: {  	(xrf0) =	vadd.scan.msk.s32 $0xffff, v8  }
0x14d: {  	s20 =	spop (v2sf)  }
0x14e: {  	s23 =	sadd.s32 s19, s20  }
0x14f: {  	v8 =	vmov s23  }
0x150: {  	v8 =	vadd.s32 $0xFFFFFFFF, v8  }
0x151: {  	v8 =	vbroadcast v8, $0x0  }
0x152: {  	v57, _, _ =	vpop (xrf0)  }
0x153: {  	v8 =	vadd.s32 v57, v8  }
0x154: {  	vm9 =	vgt.s32 v8, $0x0  }
0x155: {  	v8 =	vnsel vm9, $0x0, v8;
	_ =	sdelay $0x4  }
0x156: {  	[tilespmem:v8+s9+$0x0] =	vst.idx.msk vm8, v7  }
0x157: {  	v7 =	vld.idx.msk [tilespmem:v6+s18+$0xFFFFFFE0 ss:$0x1], $0xffff;
	_ =	sdelay $0x2  }
0x158: {  	(v2sf) =	vpush v57, $0xF;
	_ =	sdelay $0x1  }
0x159: {  	v8 =	vmul.f32 $1.280000000e+02, v7;
	_ =	sdelay $0x1  }
0x15a: {  	v8 =	vadd.f32 $1.280000000e+02, v8;
	_ =	sdelay $0x1  }
0x15b: {  	v8 =	vtrunc.f32 v8  }
0x15c: {  	v8 =	vcvt.f32.s32 v8;
	_ =	sdelay $0x1  }
0x15d: {  	vm10 =	vgt.s32 v8, $0x0  }
0x15e: {  	v8 =	vnsel vm10, $0x0, v8  }
0x15f: {  	v8 =	vmin.u32 v8, $0xFF  }
0x160: {  	vm11 =	veq.s32 v8, v5  }
0x161: {  	v8 =	vsel vm11, $0x1, v2  }
0x162: {  	(xrf0) =	vadd.scan.msk.s32 $0xffff, v8  }
0x163: {  	s24 =	spop (v2sf)  }
0x164: {  	s19 =	sadd.s32 s23, s24  }
0x165: {  	v8 =	vmov s19  }
0x166: {  	v8 =	vadd.s32 $0xFFFFFFFF, v8  }
0x167: {  	v8 =	vbroadcast v8, $0x0  }
0x168: {  	v58, _, _ =	vpop (xrf0)  }
0x169: {  	v8 =	vadd.s32 v58, v8  }
0x16a: {  	vm12 =	vgt.s32 v8, $0x0  }
0x16b: {  	v8 =	vnsel vm12, $0x0, v8;
	_ =	sdelay $0x4  }
0x16c: {  	[tilespmem:v8+s9+$0x0] =	vst.idx.msk vm11, v7  }
0x16d: {  	v7 =	vld.idx.msk [tilespmem:v6+s18+$0xFFFFFFF0 ss:$0x1], $0xffff;
	_ =	sdelay $0x2  }
0x16e: {  	(v2sf) =	vpush v58, $0xF;
	_ =	sdelay $0x1  }
0x16f: {  	v8 =	vmul.f32 $1.280000000e+02, v7;
	_ =	sdelay $0x1  }
0x170: {  	v8 =	vadd.f32 $1.280000000e+02, v8;
	_ =	sdelay $0x1  }
0x171: {  	v8 =	vtrunc.f32 v8  }
0x172: {  	v8 =	vcvt.f32.s32 v8;
	_ =	sdelay $0x1  }
0x173: {  	vm13 =	vgt.s32 v8, $0x0  }
0x174: {  	v8 =	vnsel vm13, $0x0, v8  }
0x175: {  	v8 =	vmin.u32 v8, $0xFF  }
0x176: {  	vm14 =	veq.s32 v8, v5  }
0x177: {  	v8 =	vsel vm14, $0x1, v2  }
0x178: {  	(xrf0) =	vadd.scan.msk.s32 $0xffff, v8  }
0x179: {  	s25 =	spop (v2sf)  }
0x17a: {  	s19 =	sadd.s32 s19, s25  }
0x17b: {  	v8 =	vmov s19  }
0x17c: {  	v8 =	vadd.s32 $0xFFFFFFFF, v8  }
0x17d: {  	v8 =	vbroadcast v8, $0x0  }
0x17e: {  	v59, _, _ =	vpop (xrf0)  }
0x17f: {  	v8 =	vadd.s32 v59, v8  }
0x180: {  	vm15 =	vgt.s32 v8, $0x0  }
0x181: {  	v8 =	vnsel vm15, $0x0, v8;
	_ =	sdelay $0x4  }
0x182: {  	[tilespmem:v8+s9+$0x0] =	vst.idx.msk vm14, v7  }
0x183: {  	v7 =	vld.idx.msk [tilespmem:v6+s18+$0x0 ss:$0x1], $0xffff;
	_ =	sdelay $0x2  }
0x184: {  	(v2sf) =	vpush v59, $0xF;
	_ =	sdelay $0x1  }
0x185: {  	v8 =	vmul.f32 $1.280000000e+02, v7;
	_ =	sdelay $0x1  }
0x186: {  	v8 =	vadd.f32 $1.280000000e+02, v8;
	_ =	sdelay $0x1  }
0x187: {  	v8 =	vtrunc.f32 v8  }
0x188: {  	v8 =	vcvt.f32.s32 v8;
	_ =	sdelay $0x1  }
0x189: {  	vm4 =	vgt.s32 v8, $0x0  }
0x18a: {  	v8 =	vnsel vm4, $0x0, v8  }
0x18b: {  	v8 =	vmin.u32 v8, $0xFF  }
0x18c: {  	vm5 =	veq.s32 v8, v5  }
0x18d: {  	v8 =	vsel vm5, $0x1, v2  }
0x18e: {  	(xrf0) =	vadd.scan.msk.s32 $0xffff, v8  }
0x18f: {  	s26 =	spop (v2sf)  }
0x190: {  	s19 =	sadd.s32 s19, s26  }
0x191: {  	v8 =	vmov s19  }
0x192: {  	v8 =	vadd.s32 $0xFFFFFFFF, v8  }
0x193: {  	v8 =	vbroadcast v8, $0x0  }
0x194: {  	v60, _, _ =	vpop (xrf0)  }
0x195: {  	v8 =	vadd.s32 v60, v8  }
0x196: {  	vm6 =	vgt.s32 v8, $0x0  }
0x197: {  	v8 =	vnsel vm6, $0x0, v8;
	_ =	sdelay $0x4  }
0x198: {  	[tilespmem:v8+s9+$0x0] =	vst.idx.msk vm5, v7  }
0x199: {  	v7 =	vld.idx.msk [tilespmem:v6+s18+$0x10 ss:$0x1], $0xffff;
	_ =	sdelay $0x2  }
0x19a: {  	(v2sf) =	vpush v60, $0xF;
	_ =	sdelay $0x1  }
0x19b: {  	v8 =	vmul.f32 $1.280000000e+02, v7;
	_ =	sdelay $0x1  }
0x19c: {  	v8 =	vadd.f32 $1.280000000e+02, v8;
	_ =	sdelay $0x1  }
0x19d: {  	v8 =	vtrunc.f32 v8  }
0x19e: {  	v8 =	vcvt.f32.s32 v8;
	_ =	sdelay $0x1  }
0x19f: {  	vm7 =	vgt.s32 v8, $0x0  }
0x1a0: {  	v8 =	vnsel vm7, $0x0, v8  }
0x1a1: {  	v8 =	vmin.u32 v8, $0xFF  }
0x1a2: {  	vm8 =	veq.s32 v8, v5  }
0x1a3: {  	v8 =	vsel vm8, $0x1, v2  }
0x1a4: {  	(xrf0) =	vadd.scan.msk.s32 $0xffff, v8  }
0x1a5: {  	s28 =	spop (v2sf)  }
0x1a6: {  	s19 =	sadd.s32 s19, s28  }
0x1a7: {  	v8 =	vmov s19  }
0x1a8: {  	v8 =	vadd.s32 $0xFFFFFFFF, v8  }
0x1a9: {  	v8 =	vbroadcast v8, $0x0  }
0x1aa: {  	v61, _, _ =	vpop (xrf0)  }
0x1ab: {  	v8 =	vadd.s32 v61, v8  }
0x1ac: {  	vm9 =	vgt.s32 v8, $0x0  }
0x1ad: {  	v8 =	vnsel vm9, $0x0, v8;
	_ =	sdelay $0x4  }
0x1ae: {  	[tilespmem:v8+s9+$0x0] =	vst.idx.msk vm8, v7  }
0x1af: {  	v7 =	vld.idx.msk [tilespmem:v6+s18+$0x20 ss:$0x1], $0xffff;
	_ =	sdelay $0x2  }
0x1b0: {  	(v2sf) =	vpush v61, $0xF;
	_ =	sdelay $0x1  }
0x1b1: {  	v8 =	vmul.f32 $1.280000000e+02, v7;
	_ =	sdelay $0x1  }
0x1b2: {  	v8 =	vadd.f32 $1.280000000e+02, v8;
	_ =	sdelay $0x1  }
0x1b3: {  	v8 =	vtrunc.f32 v8  }
0x1b4: {  	v8 =	vcvt.f32.s32 v8;
	_ =	sdelay $0x1  }
0x1b5: {  	vm10 =	vgt.s32 v8, $0x0  }
0x1b6: {  	v8 =	vnsel vm10, $0x0, v8  }
0x1b7: {  	v8 =	vmin.u32 v8, $0xFF  }
0x1b8: {  	vm11 =	veq.s32 v8, v5  }
0x1b9: {  	v8 =	vsel vm11, $0x1, v2  }
0x1ba: {  	(xrf0) =	vadd.scan.msk.s32 $0xffff, v8  }
0x1bb: {  	s29 =	spop (v2sf)  }
0x1bc: {  	s19 =	sadd.s32 s19, s29  }
0x1bd: {  	v8 =	vmov s19  }
0x1be: {  	v8 =	vadd.s32 $0xFFFFFFFF, v8  }
0x1bf: {  	v8 =	vbroadcast v8, $0x0  }
0x1c0: {  	v62, _, _ =	vpop (xrf0)  }
0x1c1: {  	v8 =	vadd.s32 v62, v8  }
0x1c2: {  	vm12 =	vgt.s32 v8, $0x0  }
0x1c3: {  	v8 =	vnsel vm12, $0x0, v8;
	_ =	sdelay $0x4  }
0x1c4: {  	[tilespmem:v8+s9+$0x0] =	vst.idx.msk vm11, v7  }
0x1c5: {  	v7 =	vld.idx.msk [tilespmem:v6+s18+$0x30 ss:$0x1], $0xffff;
	_ =	sdelay $0x4  }
0x1c6: {  	v8 =	vmul.f32 $1.280000000e+02, v7;
	_ =	sdelay $0x1  }
0x1c7: {  	v8 =	vadd.f32 $1.280000000e+02, v8;
	_ =	sdelay $0x1  }
0x1c8: {  	v8 =	vtrunc.f32 v8  }
0x1c9: {  	v8 =	vcvt.f32.s32 v8;
	_ =	sdelay $0x1  }
0x1ca: {  	(v2sf) =	vpush v62, $0xF;
	vm13 =	vgt.s32 v8, $0x0  }
0x1cb: {  	v8 =	vnsel vm13, $0x0, v8  }
0x1cc: {  	v8 =	vmin.u32 v8, $0xFF  }
0x1cd: {  	vm14 =	veq.s32 v8, v5  }
0x1ce: {  	v8 =	vsel vm14, $0x1, v2  }
0x1cf: {  	(xrf0) =	vadd.scan.msk.s32 $0xffff, v8;
	_ =	sdelay $0x5  }
0x1d0: {  	v8, _, _ =	vpop (xrf0)  }
0x1d1: {  	(v2sf) =	vpush v8, $0xF;
	_ =	sdelay $0x2  }
0x1d2: {  	s30 =	spop (v2sf)  }
0x1d3: {  	s18 =	sadd.s32 s19, s30  }
0x1d4: {  	v63 =	vmov s18  }
0x1d5: {  	v9 =	vadd.s32 $0xFFFFFFFF, v63  }
0x1d6: {  	v9 =	vbroadcast v9, $0x0;
	_ =	sdelay $0x1  }
0x1d7: {  	v8 =	vadd.s32 v8, v9  }
0x1d8: {  	vm15 =	vgt.s32 v8, $0x0  }
0x1d9: {  	p0 =	sne.s32 s17, $0x1F000;
	v8 =	vnsel vm15, $0x0, v8  }
.Ltmp10:
0x1da: {  	_ = 	snop;
	(pc) =	sbr.rel @p0 .LBB2_12-.Ltmp10, $3  }
0x1db: {  	_ =	sdelay $0x1  }
0x1dc: {  	s31 =	spop (v2sf)  }
0x1dd: {  	s17 =	sadd.s32 $0x1000, s17;
	[tilespmem:v8+s9+$0x0] =	vst.idx.msk vm14, v7;
	s19 =	sadd.s32 s18, s31  }
0x1de: {  	s16 =	ssub.s32 $0x1F, s16  }
0x1df: {  	p0 =	slt.s32 s16, $0x1  }
.Ltmp11:
0x1e0: {  	_ = 	snop;
	(pc) =	sbr.rel @p0 .LBB2_14-.Ltmp11, $1  }
0x1e1: {  	_ =	sdelay $0x3  }
0x1e2: {  	s17 =	sadd.s32 $0xF, s19  }
0x1e3: {  	s18 =	sand.u32 $0xF, s17  }
0x1e4: {  	s31 =	sshra.s32 s17, $0x1F;
	p1 =	slt.s32 s17, $0x1;
	p0 =	sne.s32 s18, $0x0  }
.Ltmp12:
0x1e5: {  	s18 =	sshrl.u32 s31, $0x1C;
	p0 =	por !p1, !p0;
	(pc) =	sbr.rel .LBB2_16-.Ltmp12, $4  }
0x1e6: {  	s17 =	sadd.s32 s18, s17;
	s18 =	simm.s32 $0x1;
	p0 =	por !p0, !p0  }
0x1e7: {  	s17 =	sshra.s32 s17, $0x4;
	s18 =	simm.s32 @!p0 $0x0  }
0x1e8: {  	s17 =	ssub.s32 s17, s18  }
0x1e9: {  	v5 =	vmov s19;
	s19 =	simm.s32 $0x0;
	s18 =	simm.s32 $0x0;
	p0 =	slt.s32 s17, $0x1  }
.LBB2_14:
.Ltmp13:
0x1ea: {  	(pc) =	sbr.rel .LBB2_31-.Ltmp13, $2  }
0x1eb: {  	_ =	sdelay $0x2  }
0x1ec: {  	s16 =	simm.f32 $-2.000000000e+00  }
.LBB2_20:
0x1ed: {  	s23 =	simm.s32 $0x9000;
	s24 =	simm.s32 $0x0;
	s22 =	simm.s32 $0x0  }
.LBB2_28:
0x1ee: {  	_ =	sdelay $0x3  }
0x1ef: {  	s23 =	sadd.s32 @p2 $0x10, s23;
	s25 =	simm.s32 $0x9000  }
0x1f0: {  	[tilespmem:v11+s9+$0x0] =	vst.idx.msk @p2 vm1, v0;
	s25 =	smov.u32 @p2 s23  }
0x1f1: {  	v11 =	vld @p1 [tilespmem:s25+$0x0];
	_ =	sdelay $0x1  }
0x1f2: {  	s23 =	sadd.s32 @p2 $0x10, s24;
	s24 =	simm.s32 $0x0  }
0x1f3: {  	s24 =	smov.u32 @p2 s23  }
0x1f4: {  	v12 =	vor.u32 @p1 s24, v3  }
0x1f5: {  	vm2 =	vlt.s32 @p1 v12, v5;
	vm1 =	veq.f32 @p1 v11, v7  }
0x1f6: {  	vm1 =	vmand @p1 vm2, vm1  }
0x1f7: {  	vm0 =	vmmov @p1 vm1  }
0x1f8: {  	v9 =	vpsel p1, v12, v9;
	_ =	sdelay $0x3  }
0x1f9: {  	s23 =	sadd.s32 @p1 $0x10, s25  }
0x1fa: {  	s20 =	smov.u32 @p1 s23;
	[tilespmem:v9+s9+$0x0] =	vst.idx.msk @p1 vm0, v0  }
0x1fb: {  	v9 =	vld [tilespmem:s20+$0x0];
	_ =	sdelay $0x1  }
0x1fc: {  	s23 =	simm.s32 $0x0;
	s20 =	sadd.s32 @p1 $0x10, s24  }
0x1fd: {  	s23 =	smov.u32 @p1 s20  }
0x1fe: {  	(xrf0) =	vadd.scan.msk.s32 @p2 $0xffff, v10;
	v10 =	vsel @p1 vm1, $0x1, v2;
	v63 =	vor.u32 s23, v3  }
0x1ff: {  	v8 =	vpsel p1, v10, v8;
	vm14 =	vlt.s32 v63, v5;
	vm15 =	veq.f32 v9, v7  }
0x200: {  	(xrf0) =	vadd.scan.msk.s32 @p1 $0xffff, v8;
	vm0 =	vmand vm14, vm15  }
0x201: {  	v7 =	vsel vm0, $0x1, v2  }
0x202: {  	(xrf0) =	vadd.scan.msk.s32 $0xffff, v7;
	_ =	sdelay $0x1  }
0x203: {  	v7, _, _ =	vpop @p2 (xrf0)  }
0x204: {  	(v2sf) =	vpush @p2 v7, $0xF  }
0x205: {  	v7, _, _ =	vpop @p1 (xrf0)  }
0x206: {  	(v2sf) =	vpush @p1 v7, $0xF  }
0x207: {  	v7, _, _ =	vpop (xrf0)  }
0x208: {  	(v2sf) =	vpush v7, $0xF;
	_ =	sdelay $0x8  }
0x209: {  	s20 =	spop @p3 (v2sf)  }
0x20a: {  	s20 =	sadd.s32 @p3 s22, s20;
	s22 =	simm.s32 $0x0  }
0x20b: {  	s22 =	smov.u32 @p3 s20;
	s23 =	spop @p2 (v2sf)  }
0x20c: {  	s20 =	sadd.s32 @p2 s22, s23;
	s22 =	simm.s32 $0x0  }
0x20d: {  	s22 =	smov.u32 @p2 s20;
	s20 =	spop @p1 (v2sf)  }
0x20e: {  	s20 =	sadd.s32 @p1 s22, s20  }
0x20f: {  	s21 =	smov.u32 @p1 s20;
	s31 =	spop (v2sf)  }
0x210: {  	[tilespmem:v63+s9+$0x0] =	vst.idx.msk vm0, v0;
	s20 =	sadd.s32 s21, s31  }
.LBB2_29:
0x211: {  	s19 =	sadd.s32 s19, s20  }
0x212: {  	p1 =	slt.s32 s19, s16  }
.Ltmp14:
0x213: {  	_ = 	snop;
	(pc) =	sbr.rel @!p1 .LBB2_30-.Ltmp14, $1  }
0x214: {  	_ =	sdelay $0x3  }
.LBB2_16:
.Ltmp15:
0x215: {  	(pc) =	sbr.rel @p0 .LBB2_29-.Ltmp15, $2  }
0x216: {  	_ =	sdelay $0x2  }
0x217: {  	v6 =	vmov v1;
	s20 =	simm.s32 $0x0  }
0x218: {  	s20 =	simm.s32 $0x9000  }
0x219: {  	p4 =	sne.s32 s17, $0x1;
	v7 =	vld [tilespmem:s20+$0x0]  }
.Ltmp16:
0x21a: {  	_ = 	snop;
	(pc) =	sbr.rel @!p4 .LBB2_19-.Ltmp16, $4  }
0x21b: {  	_ = 	snop  }
0x21c: {  	v6 =	vor.u32 s18, v3  }
0x21d: {  	vm0 =	vlt.s32 v6, v5  }
0x21e: {  	s21 =	sadd.s32 $0xFFFFFFFF, s17;
	s22 =	simm.s32 $0x9010;
	s23 =	simm.s32 $0x0;
	v6 =	vimm.f32 $-2.000000000e+00;
	v7 =	vnsel vm0, $0xC0000000, v7  }
.LBB2_18:
0x21f: {  	v8 =	vld [tilespmem:s22+$0x0];
	p1 =	sne.s32 s21, $0x1;
	s21 =	sadd.s32 $0xFFFFFFFF, s21;
	v6 =	vmax.f32 v6, v7  }
.Ltmp17:
0x220: {  	(pc) =	sbr.rel @p1 .LBB2_18-.Ltmp17, $4  }
0x221: {  	s23 =	sadd.s32 $0x10, s23  }
0x222: {  	v7 =	vor.u32 s23, v3  }
0x223: {  	vm0 =	vlt.s32 v7, v5  }
0x224: {  	s22 =	sadd.s32 $0x10, s22;
	v7 =	vnsel vm0, $0xC0000000, v8  }
.LBB2_19:
0x225: {  	v6 =	vmax.f32 v6, v7  }
0x226: {  	(xrf0) =	vmax.scan.msk.f32 $0xffff, v6;
	_ =	sdelay $0x2  }
.Ltmp18:
0x227: {  	_ = 	snop;
	(pc) =	sbr.rel @!p4 .LBB2_20-.Ltmp18, $3  }
0x228: {  	_ =	sdelay $0x1  }
0x229: {  	s21 =	simm.s32 $0x0;
	s22 =	sadd.s32 $0xFFFFFFFF, s17;
	v6, _, _ =	vpop (xrf0)  }
0x22a: {  	p1 =	por $0x0, $0x0;
	p2 =	por $0x0, $0x0;
	p3 =	por $0x0, $0x0;
	v7 =	vbroadcast v6, $0xF  }
0x22b: {  	p4 =	sne.s32 s22, $0x1  }
.Ltmp19:
0x22c: {  	_ = 	snop;
	(pc) =	sbr.rel @!p4 .LBB2_22-.Ltmp19, $2  }
0x22d: {  	_ =	sdelay $0x2  }
0x22e: {  	s22 =	sadd.s32 $0xFFFFFFFF, s22;
	p1 =	por $0x1, $0x1  }
0x22f: {  	v8 =	vld [tilespmem:s20+$0x0];
	_ =	sdelay $0x1  }
0x230: {  	p4 =	sne.s32 s22, $0x1  }
.Ltmp20:
0x231: {  	_ = 	snop;
	(pc) =	sbr.rel @!p4 .LBB2_24-.Ltmp20, $4  }
0x232: {  	v9 =	vor.u32 s21, v3  }
0x233: {  	vm0 =	vlt.s32 v9, v5;
	vm1 =	veq.f32 v8, v7  }
0x234: {  	vm0 =	vmand vm0, vm1  }
0x235: {  	s22 =	sadd.s32 $0xFFFFFFFF, s22;
	p2 =	por $0x1, $0x1;
	v8 =	vsel vm0, $0x1, v2  }
0x236: {  	_ =	sdelay $0x4  }
0x237: {  	[tilespmem:v9+s9+$0x0] =	vst.idx.msk vm0, v0;
	s23 =	simm.s32 $0x9010;
	(xrf0) =	vadd.scan.msk.s32 $0xffff, v8  }
0x238: {  	v10 =	vld [tilespmem:s23+$0x0];
	_ =	sdelay $0x4  }
0x239: {  	vm2 =	veq.f32 v10, v7;
	v10, _, _ =	vpop (xrf0)  }
0x23a: {  	p4 =	sne.s32 s22, $0x1;
	(v2sf) =	vpush v10, $0xF  }
.Ltmp21:
0x23b: {  	s24 =	simm.s32 $0x10;
	(pc) =	sbr.rel @!p4 .LBB2_26-.Ltmp21, $4  }
0x23c: {  	v11 =	vor.u32 s24, v3  }
0x23d: {  	vm1 =	vlt.s32 v11, v5  }
0x23e: {  	vm1 =	vmand vm1, vm2  }
0x23f: {  	s25 =	sadd.s32 $0xFFFFFFFF, s22;
	p3 =	por $0x1, $0x1;
	s22 =	simm.s32 $0x0;
	v10 =	vsel vm1, $0x1, v2  }
.LBB2_27:
0x240: {  	p4 =	sne.s32 s25, $0x1;
	(xrf0) =	vadd.scan.msk.s32 $0xffff, v10;
	_ =	sdelay $0x3  }
0x241: {  	s23 =	sadd.s32 $0x10, s23;
	[tilespmem:v11+s9+$0x0] =	vst.idx.msk vm1, v0  }
0x242: {  	v10 =	vld [tilespmem:s23+$0x0]  }
0x243: {  	v11, _, _ =	vpop (xrf0)  }
0x244: {  	(v2sf) =	vpush v11, $0xF  }
.Ltmp22:
0x245: {  	s24 =	sadd.s32 $0x10, s24;
	(pc) =	sbr.rel @p4 .LBB2_27-.Ltmp22, $4  }
0x246: {  	v11 =	vor.u32 s24, v3;
	s26 =	spop (v2sf)  }
0x247: {  	vm1 =	vlt.s32 v11, v5;
	vm2 =	veq.f32 v10, v7;
	s22 =	sadd.s32 s22, s26  }
0x248: {  	vm1 =	vmand vm1, vm2  }
0x249: {  	s25 =	sadd.s32 $0xFFFFFFFF, s25;
	v10 =	vsel vm1, $0x1, v2  }
.Ltmp23:
0x24a: {  	_ = 	snop;
	(pc) =	sbr.rel .LBB2_28-.Ltmp23, $1  }
0x24b: {  	_ =	sdelay $0x3  }
.LBB2_22:
.Ltmp24:
0x24c: {  	(pc) =	sbr.rel .LBB2_28-.Ltmp24, $2  }
0x24d: {  	_ =	sdelay $0x2  }
0x24e: {  	s23 =	simm.s32 $0x9000;
	s24 =	simm.s32 $0x0;
	s22 =	simm.s32 $0x0  }
.LBB2_24:
.Ltmp25:
0x24f: {  	(pc) =	sbr.rel .LBB2_28-.Ltmp25, $2  }
0x250: {  	_ =	sdelay $0x2  }
0x251: {  	v10 =	vmov v8;
	vm1 =	vmmov vm0;
	v11 =	vmov v9;
	s23 =	simm.s32 $0x9000;
	s24 =	simm.s32 $0x0;
	s22 =	simm.s32 $0x0  }
.LBB2_26:
.Ltmp26:
0x252: {  	(pc) =	sbr.rel .LBB2_28-.Ltmp26, $2  }
0x253: {  	_ =	sdelay $0x2  }
0x254: {  	s22 =	simm.s32 $0x0  }
.LBB2_34:
0x255: {  	_ =	sfence.sel $0x180000  }
0x256: {  	[bflag:$0x0] =	sbarrier.arrive $0xFFFF  }
0x257: {  	p0 =	sne.s32 s3, $0x0;
	_ =	strace $0x90000047  }
0x258: {  	s0 =	sadd.s32 @!p0 $0x100000, s0;
	[bflag:$0x2] =	sbarrier.arrive $0xFFFF  }
0x259: {  	[sflag:s0] =	ssyncadd.tile.s32 @!p0 $0x1;
	_ =	shalt  }
.Lfunc_end2:
_tile_overlayer_lowered:
.L_overlay_start_2:
0x25a: {  	(tag) =	ssettag $0x2  }
0x25b: {  	s0 =	rddreg [dreg:$0x0];
	s2 =	stileid.u32  }
0x25c: {  	s1 =	rddreg [dreg:$0x1];
	p0 =	sne.s32 s2, $0x0  }
0x25d: {  	s3 =	rddreg [dreg:$0x2];
	[bflag:$0x3] =	sbarrier.arrive $0xFFFF;
	s2 =	simm.s32 @!p0 $0x1C01  }
0x25e: {  	[timem:s3], [sflag:s2] =	dma.local @!p0 [hbm:s0], s1  }
0x25f: {  	s0 =	simm.s32 @!p0 $0x1  }
0x260: {  	_ =	swait.ge @!p0 [sflag:s0], s1  }
0x261: {  	s1 =	ssub.s32 @!p0 $0x0, s1;
	[sflag:s0] =	ssyncset.done @!p0 $0x0  }
0x262: {  	[sflag:s0] =	ssyncadd.s32 @!p0 s1  }
0x263: {  	[bflag:$0x3] =	sbarrier.arrive $0xFFFF  }
0x264: {  	_ =	shalt  }

</sc_bundles>
